<compile_context>
chip_gen: v7x
topology: tpu7x:2x2x1
jax: 0.10.2.dev20260603
libtpu: 0.0.44.dev20260713+nightly
codegen_flags: <defaults>
</compile_context>

<pallas_src>
import functools

import jax
import jax.numpy as jnp
from jax import lax
from jax.experimental import pallas as pl
from jax.experimental.pallas import tpu as pltpu
from jax.experimental.pallas import tpu_sc as plsc

_NUM_CLASSES = 1000000
_EMB_DIM = 32
_BATCH = 16384
_G = 16


@functools.cache
def _build():
    info = plsc.get_sparse_core_info()
    num_workers = info.num_cores * info.num_subcores
    b_per_w = _BATCH // num_workers
    n_groups = b_per_w // _G
    mesh = plsc.VectorSubcoreMesh(core_axis_name="c", subcore_axis_name="s")

    @functools.partial(
        pl.kernel,
        mesh=mesh,
        out_type=jax.ShapeDtypeStruct((_EMB_DIM, _BATCH), jnp.float32),
        scratch_types=[
            pltpu.VMEM((b_per_w,), jnp.int32),
            [pltpu.VMEM((_EMB_DIM, 128), jnp.float32) for _ in range(_G)],
            pltpu.VMEM((_EMB_DIM, b_per_w), jnp.float32),
            [pltpu.SemaphoreType.DMA for _ in range(_G)],
        ],
        compiler_params=pltpu.CompilerParams(
            disable_bounds_checks=True, needs_layout_passes=False),
    )
    def emb_lookup(idx_hbm, table_t_hbm, out_t_hbm,
                   idx_v, bufs, stage_v, sems):
        wid = lax.axis_index("s") * info.num_cores + lax.axis_index("c")
        base = wid * b_per_w
        pltpu.sync_copy(idx_hbm.at[pl.ds(base, b_per_w)], idx_v)

        d_lo = lax.iota(jnp.int32, 16)
        d_hi = d_lo + 16
        lane_ids = lax.iota(jnp.int32, 16)

        def extract(vec, r):
            return jnp.max(jnp.where(lane_ids == r, vec, 0))

        def fetch_group(g):
            cvec = idx_v[pl.ds(g * _G, _G)]
            col0vec = lax.shift_left(lax.shift_right_logical(cvec, 7), 7)
            for r in range(_G):
                col0 = pl.multiple_of(extract(col0vec, r), 128)
                pltpu.async_copy(
                    table_t_hbm.at[:, pl.ds(col0, 128)], bufs[r], sems[r])

        fetch_group(0)

        def body(g, carry):
            cvec = idx_v[pl.ds(g * _G, _G)]
            lanevec = lax.bitwise_and(cvec, 127)
            for r in range(_G):
                pltpu.make_async_copy(
                    table_t_hbm.at[:, pl.ds(0, 128)], bufs[r], sems[r]).wait()
                lane = jnp.broadcast_to(extract(lanevec, r), (16,))
                pos = jnp.broadcast_to(g * _G + r, (16,))
                plsc.store_scatter(
                    stage_v, [d_lo, pos],
                    plsc.load_gather(bufs[r], [d_lo, lane]))
                plsc.store_scatter(
                    stage_v, [d_hi, pos],
                    plsc.load_gather(bufs[r], [d_hi, lane]))

            @pl.when(g + 1 < n_groups)
            def _():
                fetch_group(g + 1)
            return carry

        lax.fori_loop(0, n_groups, body, 0)
        pltpu.sync_copy(stage_v, out_t_hbm.at[:, pl.ds(base, b_per_w)])

    return emb_lookup


def kernel(condition, embedding_weight):
    out_t = _build()(condition.astype(jnp.int32), embedding_weight.T)
    return out_t.T

# --- scband reference (transcript-rebuilt; emitter-appended) ---
"""Pipeline reference for scband-label-embedder-17188459118624 (READ-ONLY COPY).

The authoritative reference and input builder live on the scoring server;
editing this copy changes nothing except your own understanding.
"""

import jax, jax.numpy as jnp
import numpy as np

NUM_CLASSES = 1000000
EMB_DIM = 32
BATCH = 16384

def setup_inputs(seed: int = 0) -> dict:
    key = jax.random.key(seed)
    k_idx, k_tab = jax.random.split(key)
    condition = jax.random.randint(k_idx, (BATCH,), 0, NUM_CLASSES, dtype=jnp.int64 if jax.config.jax_enable_x64 else jnp.int32)
    embedding_weight = jax.random.normal(k_tab, (NUM_CLASSES, EMB_DIM), dtype=jnp.float32)
    return {"condition": condition, "embedding_weight": embedding_weight}

def reference(condition, embedding_weight):
    # nn.Embedding lookup: gather rows of the table
    c = jnp.take(embedding_weight, condition, axis=0)
    return c

if __name__ == "__main__":
    import jax
    _d = setup_inputs()
    print(jax.jit(kernel)(*tuple(_d.values())))

</pallas_src>

<mosaic_0001>
#map = affine_map<(d0, d1) -> (0)>
#map1 = affine_map<(d0, d1) -> (0, 0)>
module attributes {stable_mosaic.version = 14 : i64} {
  func.func @emb_lookup(%arg0: i32, %arg1: i32, %arg2: memref<16384xi32, #tpu.memory_space<hbm>>, %arg3: memref<32x1000000xf32, #tpu.memory_space<hbm>>, %arg4: memref<32x16384xf32, #tpu.memory_space<hbm>>, %arg5: memref<512xi32, #tpu.memory_space<vmem>>, %arg6: memref<32x128xf32, #tpu.memory_space<vmem>>, %arg7: memref<32x128xf32, #tpu.memory_space<vmem>>, %arg8: memref<32x128xf32, #tpu.memory_space<vmem>>, %arg9: memref<32x128xf32, #tpu.memory_space<vmem>>, %arg10: memref<32x128xf32, #tpu.memory_space<vmem>>, %arg11: memref<32x128xf32, #tpu.memory_space<vmem>>, %arg12: memref<32x128xf32, #tpu.memory_space<vmem>>, %arg13: memref<32x128xf32, #tpu.memory_space<vmem>>, %arg14: memref<32x128xf32, #tpu.memory_space<vmem>>, %arg15: memref<32x128xf32, #tpu.memory_space<vmem>>, %arg16: memref<32x128xf32, #tpu.memory_space<vmem>>, %arg17: memref<32x128xf32, #tpu.memory_space<vmem>>, %arg18: memref<32x128xf32, #tpu.memory_space<vmem>>, %arg19: memref<32x128xf32, #tpu.memory_space<vmem>>, %arg20: memref<32x128xf32, #tpu.memory_space<vmem>>, %arg21: memref<32x128xf32, #tpu.memory_space<vmem>>, %arg22: memref<32x512xf32, #tpu.memory_space<vmem>>, %arg23: memref<!tpu.dma_semaphore, #tpu.memory_space<semaphore_mem>>, %arg24: memref<!tpu.dma_semaphore, #tpu.memory_space<semaphore_mem>>, %arg25: memref<!tpu.dma_semaphore, #tpu.memory_space<semaphore_mem>>, %arg26: memref<!tpu.dma_semaphore, #tpu.memory_space<semaphore_mem>>, %arg27: memref<!tpu.dma_semaphore, #tpu.memory_space<semaphore_mem>>, %arg28: memref<!tpu.dma_semaphore, #tpu.memory_space<semaphore_mem>>, %arg29: memref<!tpu.dma_semaphore, #tpu.memory_space<semaphore_mem>>, %arg30: memref<!tpu.dma_semaphore, #tpu.memory_space<semaphore_mem>>, %arg31: memref<!tpu.dma_semaphore, #tpu.memory_space<semaphore_mem>>, %arg32: memref<!tpu.dma_semaphore, #tpu.memory_space<semaphore_mem>>, %arg33: memref<!tpu.dma_semaphore, #tpu.memory_space<semaphore_mem>>, %arg34: memref<!tpu.dma_semaphore, #tpu.memory_space<semaphore_mem>>, %arg35: memref<!tpu.dma_semaphore, #tpu.memory_space<semaphore_mem>>, %arg36: memref<!tpu.dma_semaphore, #tpu.memory_space<semaphore_mem>>, %arg37: memref<!tpu.dma_semaphore, #tpu.memory_space<semaphore_mem>>, %arg38: memref<!tpu.dma_semaphore, #tpu.memory_space<semaphore_mem>>) attributes {dimension_semantics = [#tpu.dimension_semantics<core_parallel>, #tpu.dimension_semantics<subcore_parallel>], iteration_bounds = array<i64: 2, 16>, scalar_prefetch = 0 : i64, scratch_operands = 34 : i64, tpu.core_type = #tpu.core_type<sc_vector_subcore>, window_params = [{transform_indices = #map}, {transform_indices = #map1}, {transform_indices = #map1}]} {
    %mul3A = arith.constant 2 : i32
    %mul3A_0 = arith.muli %arg1, %mul3A : i32
    %add3A = arith.addi %mul3A_0, %arg0 : i32
    %mul3A_1 = arith.constant 512 : i32
    %mul3A_2 = arith.muli %add3A, %mul3A_1 : i32
    "tpu.region"() ({
      %run_scoped3A = tpu.sem_alloc : memref<!tpu.dma_semaphore, #tpu.memory_space<semaphore_mem>>
      %dma_start3A_314 = tpu.memref_slice %arg2[%mul3A_2] : memref<16384xi32, #tpu.memory_space<hbm>> -> memref<512xi32, #tpu.memory_space<hbm>>
      %dma_start3A_315 = tpu.memref_slice %arg2[%mul3A_2] : memref<16384xi32, #tpu.memory_space<hbm>> -> memref<512xi32, #tpu.memory_space<hbm>>
      tpu.enqueue_dma source(%dma_start3A_315 : memref<512xi32, #tpu.memory_space<hbm>>) target(%arg5 : memref<512xi32, #tpu.memory_space<vmem>>) target_semaphore(%run_scoped3A : memref<!tpu.dma_semaphore, #tpu.memory_space<semaphore_mem>>)
      %dma_wait3A = tpu.memref_slice %arg2[%mul3A_2] : memref<16384xi32, #tpu.memory_space<hbm>> -> memref<512xi32, #tpu.memory_space<hbm>>
      %dma_wait3A_316 = tpu.memref_slice %arg2[%mul3A_2] : memref<16384xi32, #tpu.memory_space<hbm>> -> memref<512xi32, #tpu.memory_space<hbm>>
      tpu.wait_dma2 semaphore(%run_scoped3A : memref<!tpu.dma_semaphore, #tpu.memory_space<semaphore_mem>>) src(%dma_wait3A_316 : memref<512xi32, #tpu.memory_space<hbm>>) dst(%arg5 : memref<512xi32, #tpu.memory_space<vmem>>)
      tpu.yield
    }) : () -> ()
    %iota3A = tpu.iota {dimensions = array<i32: 0>} : vector<16xi32>
    %add3A_3 = arith.constant 16 : i32
    %add3A_4 = vector.broadcast %add3A_3 : i32 to vector<16xi32>
    %add3A_5 = arith.addi %iota3A, %add3A_4 : vector<16xi32>
    %iota3A_6 = tpu.iota {dimensions = array<i32: 0>} : vector<16xi32>
    %get3A = arith.constant 0 : index
    %get3A_7 = tpu.vector_load %arg5[%get3A] {strides = array<i32>} : memref<512xi32, #tpu.memory_space<vmem>>, vector<16xi32>,
    %shift_right_logical3A = arith.constant 7 : i32
    %shift_right_logical3A_8 = vector.broadcast %shift_right_logical3A : i32 to vector<16xi32>
    %shift_right_logical3A_9 = arith.shrui %get3A_7, %shift_right_logical3A_8 : vector<16xi32>
    %shift_left3A = arith.constant 7 : i32
    %shift_left3A_10 = vector.broadcast %shift_left3A : i32 to vector<16xi32>
    %shift_left3A_11 = arith.shli %shift_right_logical3A_9, %shift_left3A_10 : vector<16xi32>
    %eq3A = arith.constant 0 : i32
    %eq3A_12 = vector.broadcast %eq3A : i32 to vector<16xi32>
    %eq3A_13 = arith.cmpi eq, %iota3A_6, %eq3A_12 : vector<16xi32>
    %jit3A = arith.constant 0 : i32
    %broadcast_in_dim3A = vector.broadcast %jit3A : i32 to vector<16xi32>
    %select_n3A = arith.select %eq3A_13, %shift_left3A_11, %broadcast_in_dim3A : vector<16xi1>, vector<16xi32>
    %reduce_max3A = arith.constant true
    %reduce_max3A_14 = vector.broadcast %reduce_max3A : i1 to vector<16xi1>
    %reduce_max3A_15 = arith.constant -2147483648 : i32
    %reduce_max3A_16 = vector.broadcast %reduce_max3A_15 : i32 to vector<16xi32>
    %reduce_max3A_17 = arith.xori %select_n3A, %reduce_max3A_16 : vector<16xi32>
    %reduce_max3A_18 = tpu.scan <max>, %reduce_max3A_17 masked %reduce_max3A_14 : vector<16xi32>, vector<16xi1> -> vector<16xi32>
    %reduce_max3A_19 = arith.xori %reduce_max3A_18, %reduce_max3A_16 : vector<16xi32>
    %reduce_max3A_20 = vector.extract %reduce_max3A_19[15] : i32 from vector<16xi32>
    %multiple_of3A = tpu.assume_multiple %reduce_max3A_20, 128 : i32
    %dma_start3A = arith.constant 0 : i32
    %dma_start3A_21 = tpu.memref_slice %arg3[%dma_start3A, %multiple_of3A] : memref<32x1000000xf32, #tpu.memory_space<hbm>> -> memref<32x128xf32, #tpu.memory_space<hbm>>
    %dma_start3A_22 = arith.constant 0 : i32
    %dma_start3A_23 = tpu.memref_slice %arg3[%dma_start3A_22, %multiple_of3A] : memref<32x1000000xf32, #tpu.memory_space<hbm>> -> memref<32x128xf32, #tpu.memory_space<hbm>>
    tpu.enqueue_dma source(%dma_start3A_23 : memref<32x128xf32, #tpu.memory_space<hbm>>) target(%arg6 : memref<32x128xf32, #tpu.memory_space<vmem>>) target_semaphore(%arg23 : memref<!tpu.dma_semaphore, #tpu.memory_space<semaphore_mem>>)
    %eq3A_24 = arith.constant 1 : i32
    %eq3A_25 = vector.broadcast %eq3A_24 : i32 to vector<16xi32>
    %eq3A_26 = arith.cmpi eq, %iota3A_6, %eq3A_25 : vector<16xi32>
    %jit3A_27 = arith.constant 0 : i32
    %broadcast_in_dim3A_28 = vector.broadcast %jit3A_27 : i32 to vector<16xi32>
    %select_n3A_29 = arith.select %eq3A_26, %shift_left3A_11, %broadcast_in_dim3A_28 : vector<16xi1>, vector<16xi32>
    %reduce_max3A_30 = arith.constant true
    %reduce_max3A_31 = vector.broadcast %reduce_max3A_30 : i1 to vector<16xi1>
    %reduce_max3A_32 = arith.constant -2147483648 : i32
    %reduce_max3A_33 = vector.broadcast %reduce_max3A_32 : i32 to vector<16xi32>
    %reduce_max3A_34 = arith.xori %select_n3A_29, %reduce_max3A_33 : vector<16xi32>
    %reduce_max3A_35 = tpu.scan <max>, %reduce_max3A_34 masked %reduce_max3A_31 : vector<16xi32>, vector<16xi1> -> vector<16xi32>
    %reduce_max3A_36 = arith.xori %reduce_max3A_35, %reduce_max3A_33 : vector<16xi32>
    %reduce_max3A_37 = vector.extract %reduce_max3A_36[15] : i32 from vector<16xi32>
    %multiple_of3A_38 = tpu.assume_multiple %reduce_max3A_37, 128 : i32
    %dma_start3A_39 = arith.constant 0 : i32
    %dma_start3A_40 = tpu.memref_slice %arg3[%dma_start3A_39, %multiple_of3A_38] : memref<32x1000000xf32, #tpu.memory_space<hbm>> -> memref<32x128xf32, #tpu.memory_space<hbm>>
    %dma_start3A_41 = arith.constant 0 : i32
    %dma_start3A_42 = tpu.memref_slice %arg3[%dma_start3A_41, %multiple_of3A_38] : memref<32x1000000xf32, #tpu.memory_space<hbm>> -> memref<32x128xf32, #tpu.memory_space<hbm>>
    tpu.enqueue_dma source(%dma_start3A_42 : memref<32x128xf32, #tpu.memory_space<hbm>>) target(%arg7 : memref<32x128xf32, #tpu.memory_space<vmem>>) target_semaphore(%arg24 : memref<!tpu.dma_semaphore, #tpu.memory_space<semaphore_mem>>)
    %eq3A_43 = arith.constant 2 : i32
    %eq3A_44 = vector.broadcast %eq3A_43 : i32 to vector<16xi32>
    %eq3A_45 = arith.cmpi eq, %iota3A_6, %eq3A_44 : vector<16xi32>
    %jit3A_46 = arith.constant 0 : i32
    %broadcast_in_dim3A_47 = vector.broadcast %jit3A_46 : i32 to vector<16xi32>
    %select_n3A_48 = arith.select %eq3A_45, %shift_left3A_11, %broadcast_in_dim3A_47 : vector<16xi1>, vector<16xi32>
    %reduce_max3A_49 = arith.constant true
    %reduce_max3A_50 = vector.broadcast %reduce_max3A_49 : i1 to vector<16xi1>
    %reduce_max3A_51 = arith.constant -2147483648 : i32
    %reduce_max3A_52 = vector.broadcast %reduce_max3A_51 : i32 to vector<16xi32>
    %reduce_max3A_53 = arith.xori %select_n3A_48, %reduce_max3A_52 : vector<16xi32>
    %reduce_max3A_54 = tpu.scan <max>, %reduce_max3A_53 masked %reduce_max3A_50 : vector<16xi32>, vector<16xi1> -> vector<16xi32>
    %reduce_max3A_55 = arith.xori %reduce_max3A_54, %reduce_max3A_52 : vector<16xi32>
    %reduce_max3A_56 = vector.extract %reduce_max3A_55[15] : i32 from vector<16xi32>
    %multiple_of3A_57 = tpu.assume_multiple %reduce_max3A_56, 128 : i32
    %dma_start3A_58 = arith.constant 0 : i32
    %dma_start3A_59 = tpu.memref_slice %arg3[%dma_start3A_58, %multiple_of3A_57] : memref<32x1000000xf32, #tpu.memory_space<hbm>> -> memref<32x128xf32, #tpu.memory_space<hbm>>
    %dma_start3A_60 = arith.constant 0 : i32
    %dma_start3A_61 = tpu.memref_slice %arg3[%dma_start3A_60, %multiple_of3A_57] : memref<32x1000000xf32, #tpu.memory_space<hbm>> -> memref<32x128xf32, #tpu.memory_space<hbm>>
    tpu.enqueue_dma source(%dma_start3A_61 : memref<32x128xf32, #tpu.memory_space<hbm>>) target(%arg8 : memref<32x128xf32, #tpu.memory_space<vmem>>) target_semaphore(%arg25 : memref<!tpu.dma_semaphore, #tpu.memory_space<semaphore_mem>>)
    %eq3A_62 = arith.constant 3 : i32
    %eq3A_63 = vector.broadcast %eq3A_62 : i32 to vector<16xi32>
    %eq3A_64 = arith.cmpi eq, %iota3A_6, %eq3A_63 : vector<16xi32>
    %jit3A_65 = arith.constant 0 : i32
    %broadcast_in_dim3A_66 = vector.broadcast %jit3A_65 : i32 to vector<16xi32>
    %select_n3A_67 = arith.select %eq3A_64, %shift_left3A_11, %broadcast_in_dim3A_66 : vector<16xi1>, vector<16xi32>
    %reduce_max3A_68 = arith.constant true
    %reduce_max3A_69 = vector.broadcast %reduce_max3A_68 : i1 to vector<16xi1>
    %reduce_max3A_70 = arith.constant -2147483648 : i32
    %reduce_max3A_71 = vector.broadcast %reduce_max3A_70 : i32 to vector<16xi32>
    %reduce_max3A_72 = arith.xori %select_n3A_67, %reduce_max3A_71 : vector<16xi32>
    %reduce_max3A_73 = tpu.scan <max>, %reduce_max3A_72 masked %reduce_max3A_69 : vector<16xi32>, vector<16xi1> -> vector<16xi32>
    %reduce_max3A_74 = arith.xori %reduce_max3A_73, %reduce_max3A_71 : vector<16xi32>
    %reduce_max3A_75 = vector.extract %reduce_max3A_74[15] : i32 from vector<16xi32>
    %multiple_of3A_76 = tpu.assume_multiple %reduce_max3A_75, 128 : i32
    %dma_start3A_77 = arith.constant 0 : i32
    %dma_start3A_78 = tpu.memref_slice %arg3[%dma_start3A_77, %multiple_of3A_76] : memref<32x1000000xf32, #tpu.memory_space<hbm>> -> memref<32x128xf32, #tpu.memory_space<hbm>>
    %dma_start3A_79 = arith.constant 0 : i32
    %dma_start3A_80 = tpu.memref_slice %arg3[%dma_start3A_79, %multiple_of3A_76] : memref<32x1000000xf32, #tpu.memory_space<hbm>> -> memref<32x128xf32, #tpu.memory_space<hbm>>
    tpu.enqueue_dma source(%dma_start3A_80 : memref<32x128xf32, #tpu.memory_space<hbm>>) target(%arg9 : memref<32x128xf32, #tpu.memory_space<vmem>>) target_semaphore(%arg26 : memref<!tpu.dma_semaphore, #tpu.memory_space<semaphore_mem>>)
    %eq3A_81 = arith.constant 4 : i32
    %eq3A_82 = vector.broadcast %eq3A_81 : i32 to vector<16xi32>
    %eq3A_83 = arith.cmpi eq, %iota3A_6, %eq3A_82 : vector<16xi32>
    %jit3A_84 = arith.constant 0 : i32
    %broadcast_in_dim3A_85 = vector.broadcast %jit3A_84 : i32 to vector<16xi32>
    %select_n3A_86 = arith.select %eq3A_83, %shift_left3A_11, %broadcast_in_dim3A_85 : vector<16xi1>, vector<16xi32>
    %reduce_max3A_87 = arith.constant true
    %reduce_max3A_88 = vector.broadcast %reduce_max3A_87 : i1 to vector<16xi1>
    %reduce_max3A_89 = arith.constant -2147483648 : i32
    %reduce_max3A_90 = vector.broadcast %reduce_max3A_89 : i32 to vector<16xi32>
    %reduce_max3A_91 = arith.xori %select_n3A_86, %reduce_max3A_90 : vector<16xi32>
    %reduce_max3A_92 = tpu.scan <max>, %reduce_max3A_91 masked %reduce_max3A_88 : vector<16xi32>, vector<16xi1> -> vector<16xi32>
    %reduce_max3A_93 = arith.xori %reduce_max3A_92, %reduce_max3A_90 : vector<16xi32>
    %reduce_max3A_94 = vector.extract %reduce_max3A_93[15] : i32 from vector<16xi32>
    %multiple_of3A_95 = tpu.assume_multiple %reduce_max3A_94, 128 : i32
    %dma_start3A_96 = arith.constant 0 : i32
    %dma_start3A_97 = tpu.memref_slice %arg3[%dma_start3A_96, %multiple_of3A_95] : memref<32x1000000xf32, #tpu.memory_space<hbm>> -> memref<32x128xf32, #tpu.memory_space<hbm>>
    %dma_start3A_98 = arith.constant 0 : i32
    %dma_start3A_99 = tpu.memref_slice %arg3[%dma_start3A_98, %multiple_of3A_95] : memref<32x1000000xf32, #tpu.memory_space<hbm>> -> memref<32x128xf32, #tpu.memory_space<hbm>>
    tpu.enqueue_dma source(%dma_start3A_99 : memref<32x128xf32, #tpu.memory_space<hbm>>) target(%arg10 : memref<32x128xf32, #tpu.memory_space<vmem>>) target_semaphore(%arg27 : memref<!tpu.dma_semaphore, #tpu.memory_space<semaphore_mem>>)
    %eq3A_100 = arith.constant 5 : i32
    %eq3A_101 = vector.broadcast %eq3A_100 : i32 to vector<16xi32>
    %eq3A_102 = arith.cmpi eq, %iota3A_6, %eq3A_101 : vector<16xi32>
    %jit3A_103 = arith.constant 0 : i32
    %broadcast_in_dim3A_104 = vector.broadcast %jit3A_103 : i32 to vector<16xi32>
    %select_n3A_105 = arith.select %eq3A_102, %shift_left3A_11, %broadcast_in_dim3A_104 : vector<16xi1>, vector<16xi32>
    %reduce_max3A_106 = arith.constant true
    %reduce_max3A_107 = vector.broadcast %reduce_max3A_106 : i1 to vector<16xi1>
    %reduce_max3A_108 = arith.constant -2147483648 : i32
    %reduce_max3A_109 = vector.broadcast %reduce_max3A_108 : i32 to vector<16xi32>
    %reduce_max3A_110 = arith.xori %select_n3A_105, %reduce_max3A_109 : vector<16xi32>
    %reduce_max3A_111 = tpu.scan <max>, %reduce_max3A_110 masked %reduce_max3A_107 : vector<16xi32>, vector<16xi1> -> vector<16xi32>
    %reduce_max3A_112 = arith.xori %reduce_max3A_111, %reduce_max3A_109 : vector<16xi32>
    %reduce_max3A_113 = vector.extract %reduce_max3A_112[15] : i32 from vector<16xi32>
    %multiple_of3A_114 = tpu.assume_multiple %reduce_max3A_113, 128 : i32
    %dma_start3A_115 = arith.constant 0 : i32
    %dma_start3A_116 = tpu.memref_slice %arg3[%dma_start3A_115, %multiple_of3A_114] : memref<32x1000000xf32, #tpu.memory_space<hbm>> -> memref<32x128xf32, #tpu.memory_space<hbm>>
    %dma_start3A_117 = arith.constant 0 : i32
    %dma_start3A_118 = tpu.memref_slice %arg3[%dma_start3A_117, %multiple_of3A_114] : memref<32x1000000xf32, #tpu.memory_space<hbm>> -> memref<32x128xf32, #tpu.memory_space<hbm>>
    tpu.enqueue_dma source(%dma_start3A_118 : memref<32x128xf32, #tpu.memory_space<hbm>>) target(%arg11 : memref<32x128xf32, #tpu.memory_space<vmem>>) target_semaphore(%arg28 : memref<!tpu.dma_semaphore, #tpu.memory_space<semaphore_mem>>)
    %eq3A_119 = arith.constant 6 : i32
    %eq3A_120 = vector.broadcast %eq3A_119 : i32 to vector<16xi32>
    %eq3A_121 = arith.cmpi eq, %iota3A_6, %eq3A_120 : vector<16xi32>
    %jit3A_122 = arith.constant 0 : i32
    %broadcast_in_dim3A_123 = vector.broadcast %jit3A_122 : i32 to vector<16xi32>
    %select_n3A_124 = arith.select %eq3A_121, %shift_left3A_11, %broadcast_in_dim3A_123 : vector<16xi1>, vector<16xi32>
    %reduce_max3A_125 = arith.constant true
    %reduce_max3A_126 = vector.broadcast %reduce_max3A_125 : i1 to vector<16xi1>
    %reduce_max3A_127 = arith.constant -2147483648 : i32
    %reduce_max3A_128 = vector.broadcast %reduce_max3A_127 : i32 to vector<16xi32>
    %reduce_max3A_129 = arith.xori %select_n3A_124, %reduce_max3A_128 : vector<16xi32>
    %reduce_max3A_130 = tpu.scan <max>, %reduce_max3A_129 masked %reduce_max3A_126 : vector<16xi32>, vector<16xi1> -> vector<16xi32>
    %reduce_max3A_131 = arith.xori %reduce_max3A_130, %reduce_max3A_128 : vector<16xi32>
    %reduce_max3A_132 = vector.extract %reduce_max3A_131[15] : i32 from vector<16xi32>
    %multiple_of3A_133 = tpu.assume_multiple %reduce_max3A_132, 128 : i32
    %dma_start3A_134 = arith.constant 0 : i32
    %dma_start3A_135 = tpu.memref_slice %arg3[%dma_start3A_134, %multiple_of3A_133] : memref<32x1000000xf32, #tpu.memory_space<hbm>> -> memref<32x128xf32, #tpu.memory_space<hbm>>
    %dma_start3A_136 = arith.constant 0 : i32
    %dma_start3A_137 = tpu.memref_slice %arg3[%dma_start3A_136, %multiple_of3A_133] : memref<32x1000000xf32, #tpu.memory_space<hbm>> -> memref<32x128xf32, #tpu.memory_space<hbm>>
    tpu.enqueue_dma source(%dma_start3A_137 : memref<32x128xf32, #tpu.memory_space<hbm>>) target(%arg12 : memref<32x128xf32, #tpu.memory_space<vmem>>) target_semaphore(%arg29 : memref<!tpu.dma_semaphore, #tpu.memory_space<semaphore_mem>>)
    %eq3A_138 = arith.constant 7 : i32
    %eq3A_139 = vector.broadcast %eq3A_138 : i32 to vector<16xi32>
    %eq3A_140 = arith.cmpi eq, %iota3A_6, %eq3A_139 : vector<16xi32>
    %jit3A_141 = arith.constant 0 : i32
    %broadcast_in_dim3A_142 = vector.broadcast %jit3A_141 : i32 to vector<16xi32>
    %select_n3A_143 = arith.select %eq3A_140, %shift_left3A_11, %broadcast_in_dim3A_142 : vector<16xi1>, vector<16xi32>
    %reduce_max3A_144 = arith.constant true
    %reduce_max3A_145 = vector.broadcast %reduce_max3A_144 : i1 to vector<16xi1>
    %reduce_max3A_146 = arith.constant -2147483648 : i32
    %reduce_max3A_147 = vector.broadcast %reduce_max3A_146 : i32 to vector<16xi32>
    %reduce_max3A_148 = arith.xori %select_n3A_143, %reduce_max3A_147 : vector<16xi32>
    %reduce_max3A_149 = tpu.scan <max>, %reduce_max3A_148 masked %reduce_max3A_145 : vector<16xi32>, vector<16xi1> -> vector<16xi32>
    %reduce_max3A_150 = arith.xori %reduce_max3A_149, %reduce_max3A_147 : vector<16xi32>
    %reduce_max3A_151 = vector.extract %reduce_max3A_150[15] : i32 from vector<16xi32>
    %multiple_of3A_152 = tpu.assume_multiple %reduce_max3A_151, 128 : i32
    %dma_start3A_153 = arith.constant 0 : i32
    %dma_start3A_154 = tpu.memref_slice %arg3[%dma_start3A_153, %multiple_of3A_152] : memref<32x1000000xf32, #tpu.memory_space<hbm>> -> memref<32x128xf32, #tpu.memory_space<hbm>>
    %dma_start3A_155 = arith.constant 0 : i32
    %dma_start3A_156 = tpu.memref_slice %arg3[%dma_start3A_155, %multiple_of3A_152] : memref<32x1000000xf32, #tpu.memory_space<hbm>> -> memref<32x128xf32, #tpu.memory_space<hbm>>
    tpu.enqueue_dma source(%dma_start3A_156 : memref<32x128xf32, #tpu.memory_space<hbm>>) target(%arg13 : memref<32x128xf32, #tpu.memory_space<vmem>>) target_semaphore(%arg30 : memref<!tpu.dma_semaphore, #tpu.memory_space<semaphore_mem>>)
    %eq3A_157 = arith.constant 8 : i32
    %eq3A_158 = vector.broadcast %eq3A_157 : i32 to vector<16xi32>
    %eq3A_159 = arith.cmpi eq, %iota3A_6, %eq3A_158 : vector<16xi32>
    %jit3A_160 = arith.constant 0 : i32
    %broadcast_in_dim3A_161 = vector.broadcast %jit3A_160 : i32 to vector<16xi32>
    %select_n3A_162 = arith.select %eq3A_159, %shift_left3A_11, %broadcast_in_dim3A_161 : vector<16xi1>, vector<16xi32>
    %reduce_max3A_163 = arith.constant true
    %reduce_max3A_164 = vector.broadcast %reduce_max3A_163 : i1 to vector<16xi1>
    %reduce_max3A_165 = arith.constant -2147483648 : i32
    %reduce_max3A_166 = vector.broadcast %reduce_max3A_165 : i32 to vector<16xi32>
    %reduce_max3A_167 = arith.xori %select_n3A_162, %reduce_max3A_166 : vector<16xi32>
    %reduce_max3A_168 = tpu.scan <max>, %reduce_max3A_167 masked %reduce_max3A_164 : vector<16xi32>, vector<16xi1> -> vector<16xi32>
    %reduce_max3A_169 = arith.xori %reduce_max3A_168, %reduce_max3A_166 : vector<16xi32>
    %reduce_max3A_170 = vector.extract %reduce_max3A_169[15] : i32 from vector<16xi32>
    %multiple_of3A_171 = tpu.assume_multiple %reduce_max3A_170, 128 : i32
    %dma_start3A_172 = arith.constant 0 : i32
    %dma_start3A_173 = tpu.memref_slice %arg3[%dma_start3A_172, %multiple_of3A_171] : memref<32x1000000xf32, #tpu.memory_space<hbm>> -> memref<32x128xf32, #tpu.memory_space<hbm>>
    %dma_start3A_174 = arith.constant 0 : i32
    %dma_start3A_175 = tpu.memref_slice %arg3[%dma_start3A_174, %multiple_of3A_171] : memref<32x1000000xf32, #tpu.memory_space<hbm>> -> memref<32x128xf32, #tpu.memory_space<hbm>>
    tpu.enqueue_dma source(%dma_start3A_175 : memref<32x128xf32, #tpu.memory_space<hbm>>) target(%arg14 : memref<32x128xf32, #tpu.memory_space<vmem>>) target_semaphore(%arg31 : memref<!tpu.dma_semaphore, #tpu.memory_space<semaphore_mem>>)
    %eq3A_176 = arith.constant 9 : i32
    %eq3A_177 = vector.broadcast %eq3A_176 : i32 to vector<16xi32>
    %eq3A_178 = arith.cmpi eq, %iota3A_6, %eq3A_177 : vector<16xi32>
    %jit3A_179 = arith.constant 0 : i32
    %broadcast_in_dim3A_180 = vector.broadcast %jit3A_179 : i32 to vector<16xi32>
    %select_n3A_181 = arith.select %eq3A_178, %shift_left3A_11, %broadcast_in_dim3A_180 : vector<16xi1>, vector<16xi32>
    %reduce_max3A_182 = arith.constant true
    %reduce_max3A_183 = vector.broadcast %reduce_max3A_182 : i1 to vector<16xi1>
    %reduce_max3A_184 = arith.constant -2147483648 : i32
    %reduce_max3A_185 = vector.broadcast %reduce_max3A_184 : i32 to vector<16xi32>
    %reduce_max3A_186 = arith.xori %select_n3A_181, %reduce_max3A_185 : vector<16xi32>
    %reduce_max3A_187 = tpu.scan <max>, %reduce_max3A_186 masked %reduce_max3A_183 : vector<16xi32>, vector<16xi1> -> vector<16xi32>
    %reduce_max3A_188 = arith.xori %reduce_max3A_187, %reduce_max3A_185 : vector<16xi32>
    %reduce_max3A_189 = vector.extract %reduce_max3A_188[15] : i32 from vector<16xi32>
    %multiple_of3A_190 = tpu.assume_multiple %reduce_max3A_189, 128 : i32
    %dma_start3A_191 = arith.constant 0 : i32
    %dma_start3A_192 = tpu.memref_slice %arg3[%dma_start3A_191, %multiple_of3A_190] : memref<32x1000000xf32, #tpu.memory_space<hbm>> -> memref<32x128xf32, #tpu.memory_space<hbm>>
    %dma_start3A_193 = arith.constant 0 : i32
    %dma_start3A_194 = tpu.memref_slice %arg3[%dma_start3A_193, %multiple_of3A_190] : memref<32x1000000xf32, #tpu.memory_space<hbm>> -> memref<32x128xf32, #tpu.memory_space<hbm>>
    tpu.enqueue_dma source(%dma_start3A_194 : memref<32x128xf32, #tpu.memory_space<hbm>>) target(%arg15 : memref<32x128xf32, #tpu.memory_space<vmem>>) target_semaphore(%arg32 : memref<!tpu.dma_semaphore, #tpu.memory_space<semaphore_mem>>)
    %eq3A_195 = arith.constant 10 : i32
    %eq3A_196 = vector.broadcast %eq3A_195 : i32 to vector<16xi32>
    %eq3A_197 = arith.cmpi eq, %iota3A_6, %eq3A_196 : vector<16xi32>
    %jit3A_198 = arith.constant 0 : i32
    %broadcast_in_dim3A_199 = vector.broadcast %jit3A_198 : i32 to vector<16xi32>
    %select_n3A_200 = arith.select %eq3A_197, %shift_left3A_11, %broadcast_in_dim3A_199 : vector<16xi1>, vector<16xi32>
    %reduce_max3A_201 = arith.constant true
    %reduce_max3A_202 = vector.broadcast %reduce_max3A_201 : i1 to vector<16xi1>
    %reduce_max3A_203 = arith.constant -2147483648 : i32
    %reduce_max3A_204 = vector.broadcast %reduce_max3A_203 : i32 to vector<16xi32>
    %reduce_max3A_205 = arith.xori %select_n3A_200, %reduce_max3A_204 : vector<16xi32>
    %reduce_max3A_206 = tpu.scan <max>, %reduce_max3A_205 masked %reduce_max3A_202 : vector<16xi32>, vector<16xi1> -> vector<16xi32>
    %reduce_max3A_207 = arith.xori %reduce_max3A_206, %reduce_max3A_204 : vector<16xi32>
    %reduce_max3A_208 = vector.extract %reduce_max3A_207[15] : i32 from vector<16xi32>
    %multiple_of3A_209 = tpu.assume_multiple %reduce_max3A_208, 128 : i32
    %dma_start3A_210 = arith.constant 0 : i32
    %dma_start3A_211 = tpu.memref_slice %arg3[%dma_start3A_210, %multiple_of3A_209] : memref<32x1000000xf32, #tpu.memory_space<hbm>> -> memref<32x128xf32, #tpu.memory_space<hbm>>
    %dma_start3A_212 = arith.constant 0 : i32
    %dma_start3A_213 = tpu.memref_slice %arg3[%dma_start3A_212, %multiple_of3A_209] : memref<32x1000000xf32, #tpu.memory_space<hbm>> -> memref<32x128xf32, #tpu.memory_space<hbm>>
    tpu.enqueue_dma source(%dma_start3A_213 : memref<32x128xf32, #tpu.memory_space<hbm>>) target(%arg16 : memref<32x128xf32, #tpu.memory_space<vmem>>) target_semaphore(%arg33 : memref<!tpu.dma_semaphore, #tpu.memory_space<semaphore_mem>>)
    %eq3A_214 = arith.constant 11 : i32
    %eq3A_215 = vector.broadcast %eq3A_214 : i32 to vector<16xi32>
    %eq3A_216 = arith.cmpi eq, %iota3A_6, %eq3A_215 : vector<16xi32>
    %jit3A_217 = arith.constant 0 : i32
    %broadcast_in_dim3A_218 = vector.broadcast %jit3A_217 : i32 to vector<16xi32>
    %select_n3A_219 = arith.select %eq3A_216, %shift_left3A_11, %broadcast_in_dim3A_218 : vector<16xi1>, vector<16xi32>
    %reduce_max3A_220 = arith.constant true
    %reduce_max3A_221 = vector.broadcast %reduce_max3A_220 : i1 to vector<16xi1>
    %reduce_max3A_222 = arith.constant -2147483648 : i32
    %reduce_max3A_223 = vector.broadcast %reduce_max3A_222 : i32 to vector<16xi32>
    %reduce_max3A_224 = arith.xori %select_n3A_219, %reduce_max3A_223 : vector<16xi32>
    %reduce_max3A_225 = tpu.scan <max>, %reduce_max3A_224 masked %reduce_max3A_221 : vector<16xi32>, vector<16xi1> -> vector<16xi32>
    %reduce_max3A_226 = arith.xori %reduce_max3A_225, %reduce_max3A_223 : vector<16xi32>
    %reduce_max3A_227 = vector.extract %reduce_max3A_226[15] : i32 from vector<16xi32>
    %multiple_of3A_228 = tpu.assume_multiple %reduce_max3A_227, 128 : i32
    %dma_start3A_229 = arith.constant 0 : i32
    %dma_start3A_230 = tpu.memref_slice %arg3[%dma_start3A_229, %multiple_of3A_228] : memref<32x1000000xf32, #tpu.memory_space<hbm>> -> memref<32x128xf32, #tpu.memory_space<hbm>>
    %dma_start3A_231 = arith.constant 0 : i32
    %dma_start3A_232 = tpu.memref_slice %arg3[%dma_start3A_231, %multiple_of3A_228] : memref<32x1000000xf32, #tpu.memory_space<hbm>> -> memref<32x128xf32, #tpu.memory_space<hbm>>
    tpu.enqueue_dma source(%dma_start3A_232 : memref<32x128xf32, #tpu.memory_space<hbm>>) target(%arg17 : memref<32x128xf32, #tpu.memory_space<vmem>>) target_semaphore(%arg34 : memref<!tpu.dma_semaphore, #tpu.memory_space<semaphore_mem>>)
    %eq3A_233 = arith.constant 12 : i32
    %eq3A_234 = vector.broadcast %eq3A_233 : i32 to vector<16xi32>
    %eq3A_235 = arith.cmpi eq, %iota3A_6, %eq3A_234 : vector<16xi32>
    %jit3A_236 = arith.constant 0 : i32
    %broadcast_in_dim3A_237 = vector.broadcast %jit3A_236 : i32 to vector<16xi32>
    %select_n3A_238 = arith.select %eq3A_235, %shift_left3A_11, %broadcast_in_dim3A_237 : vector<16xi1>, vector<16xi32>
    %reduce_max3A_239 = arith.constant true
    %reduce_max3A_240 = vector.broadcast %reduce_max3A_239 : i1 to vector<16xi1>
    %reduce_max3A_241 = arith.constant -2147483648 : i32
    %reduce_max3A_242 = vector.broadcast %reduce_max3A_241 : i32 to vector<16xi32>
    %reduce_max3A_243 = arith.xori %select_n3A_238, %reduce_max3A_242 : vector<16xi32>
    %reduce_max3A_244 = tpu.scan <max>, %reduce_max3A_243 masked %reduce_max3A_240 : vector<16xi32>, vector<16xi1> -> vector<16xi32>
    %reduce_max3A_245 = arith.xori %reduce_max3A_244, %reduce_max3A_242 : vector<16xi32>
    %reduce_max3A_246 = vector.extract %reduce_max3A_245[15] : i32 from vector<16xi32>
    %multiple_of3A_247 = tpu.assume_multiple %reduce_max3A_246, 128 : i32
    %dma_start3A_248 = arith.constant 0 : i32
    %dma_start3A_249 = tpu.memref_slice %arg3[%dma_start3A_248, %multiple_of3A_247] : memref<32x1000000xf32, #tpu.memory_space<hbm>> -> memref<32x128xf32, #tpu.memory_space<hbm>>
    %dma_start3A_250 = arith.constant 0 : i32
    %dma_start3A_251 = tpu.memref_slice %arg3[%dma_start3A_250, %multiple_of3A_247] : memref<32x1000000xf32, #tpu.memory_space<hbm>> -> memref<32x128xf32, #tpu.memory_space<hbm>>
    tpu.enqueue_dma source(%dma_start3A_251 : memref<32x128xf32, #tpu.memory_space<hbm>>) target(%arg18 : memref<32x128xf32, #tpu.memory_space<vmem>>) target_semaphore(%arg35 : memref<!tpu.dma_semaphore, #tpu.memory_space<semaphore_mem>>)
    %eq3A_252 = arith.constant 13 : i32
    %eq3A_253 = vector.broadcast %eq3A_252 : i32 to vector<16xi32>
    %eq3A_254 = arith.cmpi eq, %iota3A_6, %eq3A_253 : vector<16xi32>
    %jit3A_255 = arith.constant 0 : i32
    %broadcast_in_dim3A_256 = vector.broadcast %jit3A_255 : i32 to vector<16xi32>
    %select_n3A_257 = arith.select %eq3A_254, %shift_left3A_11, %broadcast_in_dim3A_256 : vector<16xi1>, vector<16xi32>
    %reduce_max3A_258 = arith.constant true
    %reduce_max3A_259 = vector.broadcast %reduce_max3A_258 : i1 to vector<16xi1>
    %reduce_max3A_260 = arith.constant -2147483648 : i32
    %reduce_max3A_261 = vector.broadcast %reduce_max3A_260 : i32 to vector<16xi32>
    %reduce_max3A_262 = arith.xori %select_n3A_257, %reduce_max3A_261 : vector<16xi32>
    %reduce_max3A_263 = tpu.scan <max>, %reduce_max3A_262 masked %reduce_max3A_259 : vector<16xi32>, vector<16xi1> -> vector<16xi32>
    %reduce_max3A_264 = arith.xori %reduce_max3A_263, %reduce_max3A_261 : vector<16xi32>
    %reduce_max3A_265 = vector.extract %reduce_max3A_264[15] : i32 from vector<16xi32>
    %multiple_of3A_266 = tpu.assume_multiple %reduce_max3A_265, 128 : i32
    %dma_start3A_267 = arith.constant 0 : i32
    %dma_start3A_268 = tpu.memref_slice %arg3[%dma_start3A_267, %multiple_of3A_266] : memref<32x1000000xf32, #tpu.memory_space<hbm>> -> memref<32x128xf32, #tpu.memory_space<hbm>>
    %dma_start3A_269 = arith.constant 0 : i32
    %dma_start3A_270 = tpu.memref_slice %arg3[%dma_start3A_269, %multiple_of3A_266] : memref<32x1000000xf32, #tpu.memory_space<hbm>> -> memref<32x128xf32, #tpu.memory_space<hbm>>
    tpu.enqueue_dma source(%dma_start3A_270 : memref<32x128xf32, #tpu.memory_space<hbm>>) target(%arg19 : memref<32x128xf32, #tpu.memory_space<vmem>>) target_semaphore(%arg36 : memref<!tpu.dma_semaphore, #tpu.memory_space<semaphore_mem>>)
    %eq3A_271 = arith.constant 14 : i32
    %eq3A_272 = vector.broadcast %eq3A_271 : i32 to vector<16xi32>
    %eq3A_273 = arith.cmpi eq, %iota3A_6, %eq3A_272 : vector<16xi32>
    %jit3A_274 = arith.constant 0 : i32
    %broadcast_in_dim3A_275 = vector.broadcast %jit3A_274 : i32 to vector<16xi32>
    %select_n3A_276 = arith.select %eq3A_273, %shift_left3A_11, %broadcast_in_dim3A_275 : vector<16xi1>, vector<16xi32>
    %reduce_max3A_277 = arith.constant true
    %reduce_max3A_278 = vector.broadcast %reduce_max3A_277 : i1 to vector<16xi1>
    %reduce_max3A_279 = arith.constant -2147483648 : i32
    %reduce_max3A_280 = vector.broadcast %reduce_max3A_279 : i32 to vector<16xi32>
    %reduce_max3A_281 = arith.xori %select_n3A_276, %reduce_max3A_280 : vector<16xi32>
    %reduce_max3A_282 = tpu.scan <max>, %reduce_max3A_281 masked %reduce_max3A_278 : vector<16xi32>, vector<16xi1> -> vector<16xi32>
    %reduce_max3A_283 = arith.xori %reduce_max3A_282, %reduce_max3A_280 : vector<16xi32>
    %reduce_max3A_284 = vector.extract %reduce_max3A_283[15] : i32 from vector<16xi32>
    %multiple_of3A_285 = tpu.assume_multiple %reduce_max3A_284, 128 : i32
    %dma_start3A_286 = arith.constant 0 : i32
    %dma_start3A_287 = tpu.memref_slice %arg3[%dma_start3A_286, %multiple_of3A_285] : memref<32x1000000xf32, #tpu.memory_space<hbm>> -> memref<32x128xf32, #tpu.memory_space<hbm>>
    %dma_start3A_288 = arith.constant 0 : i32
    %dma_start3A_289 = tpu.memref_slice %arg3[%dma_start3A_288, %multiple_of3A_285] : memref<32x1000000xf32, #tpu.memory_space<hbm>> -> memref<32x128xf32, #tpu.memory_space<hbm>>
    tpu.enqueue_dma source(%dma_start3A_289 : memref<32x128xf32, #tpu.memory_space<hbm>>) target(%arg20 : memref<32x128xf32, #tpu.memory_space<vmem>>) target_semaphore(%arg37 : memref<!tpu.dma_semaphore, #tpu.memory_space<semaphore_mem>>)
    %eq3A_290 = arith.constant 15 : i32
    %eq3A_291 = vector.broadcast %eq3A_290 : i32 to vector<16xi32>
    %eq3A_292 = arith.cmpi eq, %iota3A_6, %eq3A_291 : vector<16xi32>
    %jit3A_293 = arith.constant 0 : i32
    %broadcast_in_dim3A_294 = vector.broadcast %jit3A_293 : i32 to vector<16xi32>
    %select_n3A_295 = arith.select %eq3A_292, %shift_left3A_11, %broadcast_in_dim3A_294 : vector<16xi1>, vector<16xi32>
    %reduce_max3A_296 = arith.constant true
    %reduce_max3A_297 = vector.broadcast %reduce_max3A_296 : i1 to vector<16xi1>
    %reduce_max3A_298 = arith.constant -2147483648 : i32
    %reduce_max3A_299 = vector.broadcast %reduce_max3A_298 : i32 to vector<16xi32>
    %reduce_max3A_300 = arith.xori %select_n3A_295, %reduce_max3A_299 : vector<16xi32>
    %reduce_max3A_301 = tpu.scan <max>, %reduce_max3A_300 masked %reduce_max3A_297 : vector<16xi32>, vector<16xi1> -> vector<16xi32>
    %reduce_max3A_302 = arith.xori %reduce_max3A_301, %reduce_max3A_299 : vector<16xi32>
    %reduce_max3A_303 = vector.extract %reduce_max3A_302[15] : i32 from vector<16xi32>
    %multiple_of3A_304 = tpu.assume_multiple %reduce_max3A_303, 128 : i32
    %dma_start3A_305 = arith.constant 0 : i32
    %dma_start3A_306 = tpu.memref_slice %arg3[%dma_start3A_305, %multiple_of3A_304] : memref<32x1000000xf32, #tpu.memory_space<hbm>> -> memref<32x128xf32, #tpu.memory_space<hbm>>
    %dma_start3A_307 = arith.constant 0 : i32
    %dma_start3A_308 = tpu.memref_slice %arg3[%dma_start3A_307, %multiple_of3A_304] : memref<32x1000000xf32, #tpu.memory_space<hbm>> -> memref<32x128xf32, #tpu.memory_space<hbm>>
    tpu.enqueue_dma source(%dma_start3A_308 : memref<32x128xf32, #tpu.memory_space<hbm>>) target(%arg21 : memref<32x128xf32, #tpu.memory_space<vmem>>) target_semaphore(%arg38 : memref<!tpu.dma_semaphore, #tpu.memory_space<semaphore_mem>>)
    %scan3A = arith.constant 0 : i32
    %scan3A_309 = arith.constant 0 : i32
    %scan3A_310 = arith.constant 32 : i32
    %scan3A_311 = arith.addi %scan3A_309, %scan3A_310 : i32
    %scan3A_312 = arith.constant 1 : i32
    scf.for %scan3A_314 = %scan3A_309 to %scan3A_311 step %scan3A_312  : i32 {
      %mul3A_315 = arith.constant 16 : i32
      %mul3A_316 = arith.muli %scan3A_314, %mul3A_315 : i32
      %get3A_317 = arith.index_cast %mul3A_316 : i32 to index
      %get3A_318 = tpu.vector_load %arg5[%get3A_317] {strides = array<i32>} : memref<512xi32, #tpu.memory_space<vmem>>, vector<16xi32>,
      %and3A = arith.constant 127 : i32
      %and3A_319 = vector.broadcast %and3A : i32 to vector<16xi32>
      %and3A_320 = arith.andi %get3A_318, %and3A_319 : vector<16xi32>
      %dma_wait3A = arith.constant 0 : i32
      %dma_wait3A_321 = arith.constant 0 : i32
      %dma_wait3A_322 = tpu.memref_slice %arg3[%dma_wait3A, %dma_wait3A_321] : memref<32x1000000xf32, #tpu.memory_space<hbm>> -> memref<32x128xf32, #tpu.memory_space<hbm>>
      %dma_wait3A_323 = arith.constant 0 : i32
      %dma_wait3A_324 = arith.constant 0 : i32
      %dma_wait3A_325 = tpu.memref_slice %arg3[%dma_wait3A_323, %dma_wait3A_324] : memref<32x1000000xf32, #tpu.memory_space<hbm>> -> memref<32x128xf32, #tpu.memory_space<hbm>>
      tpu.wait_dma2 semaphore(%arg23 : memref<!tpu.dma_semaphore, #tpu.memory_space<semaphore_mem>>) src(%dma_wait3A_325 : memref<32x128xf32, #tpu.memory_space<hbm>>) dst(%arg6 : memref<32x128xf32, #tpu.memory_space<vmem>>)
      %eq3A_326 = arith.constant 0 : i32
      %eq3A_327 = vector.broadcast %eq3A_326 : i32 to vector<16xi32>
      %eq3A_328 = arith.cmpi eq, %iota3A_6, %eq3A_327 : vector<16xi32>
      %jit3A_329 = arith.constant 0 : i32
      %broadcast_in_dim3A_330 = vector.broadcast %jit3A_329 : i32 to vector<16xi32>
      %select_n3A_331 = arith.select %eq3A_328, %and3A_320, %broadcast_in_dim3A_330 : vector<16xi1>, vector<16xi32>
      %reduce_max3A_332 = arith.constant true
      %reduce_max3A_333 = vector.broadcast %reduce_max3A_332 : i1 to vector<16xi1>
      %reduce_max3A_334 = arith.constant -2147483648 : i32
      %reduce_max3A_335 = vector.broadcast %reduce_max3A_334 : i32 to vector<16xi32>
      %reduce_max3A_336 = arith.xori %select_n3A_331, %reduce_max3A_335 : vector<16xi32>
      %reduce_max3A_337 = tpu.scan <max>, %reduce_max3A_336 masked %reduce_max3A_333 : vector<16xi32>, vector<16xi1> -> vector<16xi32>
      %reduce_max3A_338 = arith.xori %reduce_max3A_337, %reduce_max3A_335 : vector<16xi32>
      %reduce_max3A_339 = vector.extract %reduce_max3A_338[15] : i32 from vector<16xi32>
      %broadcast_in_dim3A_340 = vector.broadcast %reduce_max3A_339 : i32 to vector<16xi32>
      %mul3A_341 = arith.constant 16 : i32
      %mul3A_342 = arith.muli %scan3A_314, %mul3A_341 : i32
      %add3A_343 = arith.constant 0 : i32
      %add3A_344 = arith.addi %mul3A_342, %add3A_343 : i32
      %broadcast_in_dim3A_345 = vector.broadcast %add3A_344 : i32 to vector<16xi32>
      %gather3A = tpu.vector_load_idx %arg6[%iota3A, %broadcast_in_dim3A_340] : memref<32x128xf32, #tpu.memory_space<vmem>>[vector<16xi32>, vector<16xi32>], vector<16xf32>,
      tpu.vector_store_idx %arg22[%iota3A, %broadcast_in_dim3A_345], %gather3A : memref<32x512xf32, #tpu.memory_space<vmem>>[vector<16xi32>, vector<16xi32>], vector<16xf32>,
      %gather3A_346 = tpu.vector_load_idx %arg6[%add3A_5, %broadcast_in_dim3A_340] : memref<32x128xf32, #tpu.memory_space<vmem>>[vector<16xi32>, vector<16xi32>], vector<16xf32>,
      tpu.vector_store_idx %arg22[%add3A_5, %broadcast_in_dim3A_345], %gather3A_346 : memref<32x512xf32, #tpu.memory_space<vmem>>[vector<16xi32>, vector<16xi32>], vector<16xf32>,
      %dma_wait3A_347 = arith.constant 0 : i32
      %dma_wait3A_348 = arith.constant 0 : i32
      %dma_wait3A_349 = tpu.memref_slice %arg3[%dma_wait3A_347, %dma_wait3A_348] : memref<32x1000000xf32, #tpu.memory_space<hbm>> -> memref<32x128xf32, #tpu.memory_space<hbm>>
      %dma_wait3A_350 = arith.constant 0 : i32
      %dma_wait3A_351 = arith.constant 0 : i32
      %dma_wait3A_352 = tpu.memref_slice %arg3[%dma_wait3A_350, %dma_wait3A_351] : memref<32x1000000xf32, #tpu.memory_space<hbm>> -> memref<32x128xf32, #tpu.memory_space<hbm>>
      tpu.wait_dma2 semaphore(%arg24 : memref<!tpu.dma_semaphore, #tpu.memory_space<semaphore_mem>>) src(%dma_wait3A_352 : memref<32x128xf32, #tpu.memory_space<hbm>>) dst(%arg7 : memref<32x128xf32, #tpu.memory_space<vmem>>)
      %eq3A_353 = arith.constant 1 : i32
      %eq3A_354 = vector.broadcast %eq3A_353 : i32 to vector<16xi32>
      %eq3A_355 = arith.cmpi eq, %iota3A_6, %eq3A_354 : vector<16xi32>
      %jit3A_356 = arith.constant 0 : i32
      %broadcast_in_dim3A_357 = vector.broadcast %jit3A_356 : i32 to vector<16xi32>
      %select_n3A_358 = arith.select %eq3A_355, %and3A_320, %broadcast_in_dim3A_357 : vector<16xi1>, vector<16xi32>
      %reduce_max3A_359 = arith.constant true
      %reduce_max3A_360 = vector.broadcast %reduce_max3A_359 : i1 to vector<16xi1>
      %reduce_max3A_361 = arith.constant -2147483648 : i32
      %reduce_max3A_362 = vector.broadcast %reduce_max3A_361 : i32 to vector<16xi32>
      %reduce_max3A_363 = arith.xori %select_n3A_358, %reduce_max3A_362 : vector<16xi32>
      %reduce_max3A_364 = tpu.scan <max>, %reduce_max3A_363 masked %reduce_max3A_360 : vector<16xi32>, vector<16xi1> -> vector<16xi32>
      %reduce_max3A_365 = arith.xori %reduce_max3A_364, %reduce_max3A_362 : vector<16xi32>
      %reduce_max3A_366 = vector.extract %reduce_max3A_365[15] : i32 from vector<16xi32>
      %broadcast_in_dim3A_367 = vector.broadcast %reduce_max3A_366 : i32 to vector<16xi32>
      %mul3A_368 = arith.constant 16 : i32
      %mul3A_369 = arith.muli %scan3A_314, %mul3A_368 : i32
      %add3A_370 = arith.constant 1 : i32
      %add3A_371 = arith.addi %mul3A_369, %add3A_370 : i32
      %broadcast_in_dim3A_372 = vector.broadcast %add3A_371 : i32 to vector<16xi32>
      %gather3A_373 = tpu.vector_load_idx %arg7[%iota3A, %broadcast_in_dim3A_367] : memref<32x128xf32, #tpu.memory_space<vmem>>[vector<16xi32>, vector<16xi32>], vector<16xf32>,
      tpu.vector_store_idx %arg22[%iota3A, %broadcast_in_dim3A_372], %gather3A_373 : memref<32x512xf32, #tpu.memory_space<vmem>>[vector<16xi32>, vector<16xi32>], vector<16xf32>,
      %gather3A_374 = tpu.vector_load_idx %arg7[%add3A_5, %broadcast_in_dim3A_367] : memref<32x128xf32, #tpu.memory_space<vmem>>[vector<16xi32>, vector<16xi32>], vector<16xf32>,
      tpu.vector_store_idx %arg22[%add3A_5, %broadcast_in_dim3A_372], %gather3A_374 : memref<32x512xf32, #tpu.memory_space<vmem>>[vector<16xi32>, vector<16xi32>], vector<16xf32>,
      %dma_wait3A_375 = arith.constant 0 : i32
      %dma_wait3A_376 = arith.constant 0 : i32
      %dma_wait3A_377 = tpu.memref_slice %arg3[%dma_wait3A_375, %dma_wait3A_376] : memref<32x1000000xf32, #tpu.memory_space<hbm>> -> memref<32x128xf32, #tpu.memory_space<hbm>>
      %dma_wait3A_378 = arith.constant 0 : i32
      %dma_wait3A_379 = arith.constant 0 : i32
      %dma_wait3A_380 = tpu.memref_slice %arg3[%dma_wait3A_378, %dma_wait3A_379] : memref<32x1000000xf32, #tpu.memory_space<hbm>> -> memref<32x128xf32, #tpu.memory_space<hbm>>
      tpu.wait_dma2 semaphore(%arg25 : memref<!tpu.dma_semaphore, #tpu.memory_space<semaphore_mem>>) src(%dma_wait3A_380 : memref<32x128xf32, #tpu.memory_space<hbm>>) dst(%arg8 : memref<32x128xf32, #tpu.memory_space<vmem>>)
      %eq3A_381 = arith.constant 2 : i32
      %eq3A_382 = vector.broadcast %eq3A_381 : i32 to vector<16xi32>
      %eq3A_383 = arith.cmpi eq, %iota3A_6, %eq3A_382 : vector<16xi32>
      %jit3A_384 = arith.constant 0 : i32
      %broadcast_in_dim3A_385 = vector.broadcast %jit3A_384 : i32 to vector<16xi32>
      %select_n3A_386 = arith.select %eq3A_383, %and3A_320, %broadcast_in_dim3A_385 : vector<16xi1>, vector<16xi32>
      %reduce_max3A_387 = arith.constant true
      %reduce_max3A_388 = vector.broadcast %reduce_max3A_387 : i1 to vector<16xi1>
      %reduce_max3A_389 = arith.constant -2147483648 : i32
      %reduce_max3A_390 = vector.broadcast %reduce_max3A_389 : i32 to vector<16xi32>
      %reduce_max3A_391 = arith.xori %select_n3A_386, %reduce_max3A_390 : vector<16xi32>
      %reduce_max3A_392 = tpu.scan <max>, %reduce_max3A_391 masked %reduce_max3A_388 : vector<16xi32>, vector<16xi1> -> vector<16xi32>
      %reduce_max3A_393 = arith.xori %reduce_max3A_392, %reduce_max3A_390 : vector<16xi32>
      %reduce_max3A_394 = vector.extract %reduce_max3A_393[15] : i32 from vector<16xi32>
      %broadcast_in_dim3A_395 = vector.broadcast %reduce_max3A_394 : i32 to vector<16xi32>
      %mul3A_396 = arith.constant 16 : i32
      %mul3A_397 = arith.muli %scan3A_314, %mul3A_396 : i32
      %add3A_398 = arith.constant 2 : i32
      %add3A_399 = arith.addi %mul3A_397, %add3A_398 : i32
      %broadcast_in_dim3A_400 = vector.broadcast %add3A_399 : i32 to vector<16xi32>
      %gather3A_401 = tpu.vector_load_idx %arg8[%iota3A, %broadcast_in_dim3A_395] : memref<32x128xf32, #tpu.memory_space<vmem>>[vector<16xi32>, vector<16xi32>], vector<16xf32>,
      tpu.vector_store_idx %arg22[%iota3A, %broadcast_in_dim3A_400], %gather3A_401 : memref<32x512xf32, #tpu.memory_space<vmem>>[vector<16xi32>, vector<16xi32>], vector<16xf32>,
      %gather3A_402 = tpu.vector_load_idx %arg8[%add3A_5, %broadcast_in_dim3A_395] : memref<32x128xf32, #tpu.memory_space<vmem>>[vector<16xi32>, vector<16xi32>], vector<16xf32>,
      tpu.vector_store_idx %arg22[%add3A_5, %broadcast_in_dim3A_400], %gather3A_402 : memref<32x512xf32, #tpu.memory_space<vmem>>[vector<16xi32>, vector<16xi32>], vector<16xf32>,
      %dma_wait3A_403 = arith.constant 0 : i32
      %dma_wait3A_404 = arith.constant 0 : i32
      %dma_wait3A_405 = tpu.memref_slice %arg3[%dma_wait3A_403, %dma_wait3A_404] : memref<32x1000000xf32, #tpu.memory_space<hbm>> -> memref<32x128xf32, #tpu.memory_space<hbm>>
      %dma_wait3A_406 = arith.constant 0 : i32
      %dma_wait3A_407 = arith.constant 0 : i32
      %dma_wait3A_408 = tpu.memref_slice %arg3[%dma_wait3A_406, %dma_wait3A_407] : memref<32x1000000xf32, #tpu.memory_space<hbm>> -> memref<32x128xf32, #tpu.memory_space<hbm>>
      tpu.wait_dma2 semaphore(%arg26 : memref<!tpu.dma_semaphore, #tpu.memory_space<semaphore_mem>>) src(%dma_wait3A_408 : memref<32x128xf32, #tpu.memory_space<hbm>>) dst(%arg9 : memref<32x128xf32, #tpu.memory_space<vmem>>)
      %eq3A_409 = arith.constant 3 : i32
      %eq3A_410 = vector.broadcast %eq3A_409 : i32 to vector<16xi32>
      %eq3A_411 = arith.cmpi eq, %iota3A_6, %eq3A_410 : vector<16xi32>
      %jit3A_412 = arith.constant 0 : i32
      %broadcast_in_dim3A_413 = vector.broadcast %jit3A_412 : i32 to vector<16xi32>
      %select_n3A_414 = arith.select %eq3A_411, %and3A_320, %broadcast_in_dim3A_413 : vector<16xi1>, vector<16xi32>
      %reduce_max3A_415 = arith.constant true
      %reduce_max3A_416 = vector.broadcast %reduce_max3A_415 : i1 to vector<16xi1>
      %reduce_max3A_417 = arith.constant -2147483648 : i32
      %reduce_max3A_418 = vector.broadcast %reduce_max3A_417 : i32 to vector<16xi32>
      %reduce_max3A_419 = arith.xori %select_n3A_414, %reduce_max3A_418 : vector<16xi32>
      %reduce_max3A_420 = tpu.scan <max>, %reduce_max3A_419 masked %reduce_max3A_416 : vector<16xi32>, vector<16xi1> -> vector<16xi32>
      %reduce_max3A_421 = arith.xori %reduce_max3A_420, %reduce_max3A_418 : vector<16xi32>
      %reduce_max3A_422 = vector.extract %reduce_max3A_421[15] : i32 from vector<16xi32>
      %broadcast_in_dim3A_423 = vector.broadcast %reduce_max3A_422 : i32 to vector<16xi32>
      %mul3A_424 = arith.constant 16 : i32
      %mul3A_425 = arith.muli %scan3A_314, %mul3A_424 : i32
      %add3A_426 = arith.constant 3 : i32
      %add3A_427 = arith.addi %mul3A_425, %add3A_426 : i32
      %broadcast_in_dim3A_428 = vector.broadcast %add3A_427 : i32 to vector<16xi32>
      %gather3A_429 = tpu.vector_load_idx %arg9[%iota3A, %broadcast_in_dim3A_423] : memref<32x128xf32, #tpu.memory_space<vmem>>[vector<16xi32>, vector<16xi32>], vector<16xf32>,
      tpu.vector_store_idx %arg22[%iota3A, %broadcast_in_dim3A_428], %gather3A_429 : memref<32x512xf32, #tpu.memory_space<vmem>>[vector<16xi32>, vector<16xi32>], vector<16xf32>,
      %gather3A_430 = tpu.vector_load_idx %arg9[%add3A_5, %broadcast_in_dim3A_423] : memref<32x128xf32, #tpu.memory_space<vmem>>[vector<16xi32>, vector<16xi32>], vector<16xf32>,
      tpu.vector_store_idx %arg22[%add3A_5, %broadcast_in_dim3A_428], %gather3A_430 : memref<32x512xf32, #tpu.memory_space<vmem>>[vector<16xi32>, vector<16xi32>], vector<16xf32>,
      %dma_wait3A_431 = arith.constant 0 : i32
      %dma_wait3A_432 = arith.constant 0 : i32
      %dma_wait3A_433 = tpu.memref_slice %arg3[%dma_wait3A_431, %dma_wait3A_432] : memref<32x1000000xf32, #tpu.memory_space<hbm>> -> memref<32x128xf32, #tpu.memory_space<hbm>>
      %dma_wait3A_434 = arith.constant 0 : i32
      %dma_wait3A_435 = arith.constant 0 : i32
      %dma_wait3A_436 = tpu.memref_slice %arg3[%dma_wait3A_434, %dma_wait3A_435] : memref<32x1000000xf32, #tpu.memory_space<hbm>> -> memref<32x128xf32, #tpu.memory_space<hbm>>
      tpu.wait_dma2 semaphore(%arg27 : memref<!tpu.dma_semaphore, #tpu.memory_space<semaphore_mem>>) src(%dma_wait3A_436 : memref<32x128xf32, #tpu.memory_space<hbm>>) dst(%arg10 : memref<32x128xf32, #tpu.memory_space<vmem>>)
      %eq3A_437 = arith.constant 4 : i32
      %eq3A_438 = vector.broadcast %eq3A_437 : i32 to vector<16xi32>
      %eq3A_439 = arith.cmpi eq, %iota3A_6, %eq3A_438 : vector<16xi32>
      %jit3A_440 = arith.constant 0 : i32
      %broadcast_in_dim3A_441 = vector.broadcast %jit3A_440 : i32 to vector<16xi32>
      %select_n3A_442 = arith.select %eq3A_439, %and3A_320, %broadcast_in_dim3A_441 : vector<16xi1>, vector<16xi32>
      %reduce_max3A_443 = arith.constant true
      %reduce_max3A_444 = vector.broadcast %reduce_max3A_443 : i1 to vector<16xi1>
      %reduce_max3A_445 = arith.constant -2147483648 : i32
      %reduce_max3A_446 = vector.broadcast %reduce_max3A_445 : i32 to vector<16xi32>
      %reduce_max3A_447 = arith.xori %select_n3A_442, %reduce_max3A_446 : vector<16xi32>
      %reduce_max3A_448 = tpu.scan <max>, %reduce_max3A_447 masked %reduce_max3A_444 : vector<16xi32>, vector<16xi1> -> vector<16xi32>
      %reduce_max3A_449 = arith.xori %reduce_max3A_448, %reduce_max3A_446 : vector<16xi32>
      %reduce_max3A_450 = vector.extract %reduce_max3A_449[15] : i32 from vector<16xi32>
      %broadcast_in_dim3A_451 = vector.broadcast %reduce_max3A_450 : i32 to vector<16xi32>
      %mul3A_452 = arith.constant 16 : i32
      %mul3A_453 = arith.muli %scan3A_314, %mul3A_452 : i32
      %add3A_454 = arith.constant 4 : i32
      %add3A_455 = arith.addi %mul3A_453, %add3A_454 : i32
      %broadcast_in_dim3A_456 = vector.broadcast %add3A_455 : i32 to vector<16xi32>
      %gather3A_457 = tpu.vector_load_idx %arg10[%iota3A, %broadcast_in_dim3A_451] : memref<32x128xf32, #tpu.memory_space<vmem>>[vector<16xi32>, vector<16xi32>], vector<16xf32>,
      tpu.vector_store_idx %arg22[%iota3A, %broadcast_in_dim3A_456], %gather3A_457 : memref<32x512xf32, #tpu.memory_space<vmem>>[vector<16xi32>, vector<16xi32>], vector<16xf32>,
      %gather3A_458 = tpu.vector_load_idx %arg10[%add3A_5, %broadcast_in_dim3A_451] : memref<32x128xf32, #tpu.memory_space<vmem>>[vector<16xi32>, vector<16xi32>], vector<16xf32>,
      tpu.vector_store_idx %arg22[%add3A_5, %broadcast_in_dim3A_456], %gather3A_458 : memref<32x512xf32, #tpu.memory_space<vmem>>[vector<16xi32>, vector<16xi32>], vector<16xf32>,
      %dma_wait3A_459 = arith.constant 0 : i32
      %dma_wait3A_460 = arith.constant 0 : i32
      %dma_wait3A_461 = tpu.memref_slice %arg3[%dma_wait3A_459, %dma_wait3A_460] : memref<32x1000000xf32, #tpu.memory_space<hbm>> -> memref<32x128xf32, #tpu.memory_space<hbm>>
      %dma_wait3A_462 = arith.constant 0 : i32
      %dma_wait3A_463 = arith.constant 0 : i32
      %dma_wait3A_464 = tpu.memref_slice %arg3[%dma_wait3A_462, %dma_wait3A_463] : memref<32x1000000xf32, #tpu.memory_space<hbm>> -> memref<32x128xf32, #tpu.memory_space<hbm>>
      tpu.wait_dma2 semaphore(%arg28 : memref<!tpu.dma_semaphore, #tpu.memory_space<semaphore_mem>>) src(%dma_wait3A_464 : memref<32x128xf32, #tpu.memory_space<hbm>>) dst(%arg11 : memref<32x128xf32, #tpu.memory_space<vmem>>)
      %eq3A_465 = arith.constant 5 : i32
      %eq3A_466 = vector.broadcast %eq3A_465 : i32 to vector<16xi32>
      %eq3A_467 = arith.cmpi eq, %iota3A_6, %eq3A_466 : vector<16xi32>
      %jit3A_468 = arith.constant 0 : i32
      %broadcast_in_dim3A_469 = vector.broadcast %jit3A_468 : i32 to vector<16xi32>
      %select_n3A_470 = arith.select %eq3A_467, %and3A_320, %broadcast_in_dim3A_469 : vector<16xi1>, vector<16xi32>
      %reduce_max3A_471 = arith.constant true
      %reduce_max3A_472 = vector.broadcast %reduce_max3A_471 : i1 to vector<16xi1>
      %reduce_max3A_473 = arith.constant -2147483648 : i32
      %reduce_max3A_474 = vector.broadcast %reduce_max3A_473 : i32 to vector<16xi32>
      %reduce_max3A_475 = arith.xori %select_n3A_470, %reduce_max3A_474 : vector<16xi32>
      %reduce_max3A_476 = tpu.scan <max>, %reduce_max3A_475 masked %reduce_max3A_472 : vector<16xi32>, vector<16xi1> -> vector<16xi32>
      %reduce_max3A_477 = arith.xori %reduce_max3A_476, %reduce_max3A_474 : vector<16xi32>
      %reduce_max3A_478 = vector.extract %reduce_max3A_477[15] : i32 from vector<16xi32>
      %broadcast_in_dim3A_479 = vector.broadcast %reduce_max3A_478 : i32 to vector<16xi32>
      %mul3A_480 = arith.constant 16 : i32
      %mul3A_481 = arith.muli %scan3A_314, %mul3A_480 : i32
      %add3A_482 = arith.constant 5 : i32
      %add3A_483 = arith.addi %mul3A_481, %add3A_482 : i32
      %broadcast_in_dim3A_484 = vector.broadcast %add3A_483 : i32 to vector<16xi32>
      %gather3A_485 = tpu.vector_load_idx %arg11[%iota3A, %broadcast_in_dim3A_479] : memref<32x128xf32, #tpu.memory_space<vmem>>[vector<16xi32>, vector<16xi32>], vector<16xf32>,
      tpu.vector_store_idx %arg22[%iota3A, %broadcast_in_dim3A_484], %gather3A_485 : memref<32x512xf32, #tpu.memory_space<vmem>>[vector<16xi32>, vector<16xi32>], vector<16xf32>,
      %gather3A_486 = tpu.vector_load_idx %arg11[%add3A_5, %broadcast_in_dim3A_479] : memref<32x128xf32, #tpu.memory_space<vmem>>[vector<16xi32>, vector<16xi32>], vector<16xf32>,
      tpu.vector_store_idx %arg22[%add3A_5, %broadcast_in_dim3A_484], %gather3A_486 : memref<32x512xf32, #tpu.memory_space<vmem>>[vector<16xi32>, vector<16xi32>], vector<16xf32>,
      %dma_wait3A_487 = arith.constant 0 : i32
      %dma_wait3A_488 = arith.constant 0 : i32
      %dma_wait3A_489 = tpu.memref_slice %arg3[%dma_wait3A_487, %dma_wait3A_488] : memref<32x1000000xf32, #tpu.memory_space<hbm>> -> memref<32x128xf32, #tpu.memory_space<hbm>>
      %dma_wait3A_490 = arith.constant 0 : i32
      %dma_wait3A_491 = arith.constant 0 : i32
      %dma_wait3A_492 = tpu.memref_slice %arg3[%dma_wait3A_490, %dma_wait3A_491] : memref<32x1000000xf32, #tpu.memory_space<hbm>> -> memref<32x128xf32, #tpu.memory_space<hbm>>
      tpu.wait_dma2 semaphore(%arg29 : memref<!tpu.dma_semaphore, #tpu.memory_space<semaphore_mem>>) src(%dma_wait3A_492 : memref<32x128xf32, #tpu.memory_space<hbm>>) dst(%arg12 : memref<32x128xf32, #tpu.memory_space<vmem>>)
      %eq3A_493 = arith.constant 6 : i32
      %eq3A_494 = vector.broadcast %eq3A_493 : i32 to vector<16xi32>
      %eq3A_495 = arith.cmpi eq, %iota3A_6, %eq3A_494 : vector<16xi32>
      %jit3A_496 = arith.constant 0 : i32
      %broadcast_in_dim3A_497 = vector.broadcast %jit3A_496 : i32 to vector<16xi32>
      %select_n3A_498 = arith.select %eq3A_495, %and3A_320, %broadcast_in_dim3A_497 : vector<16xi1>, vector<16xi32>
      %reduce_max3A_499 = arith.constant true
      %reduce_max3A_500 = vector.broadcast %reduce_max3A_499 : i1 to vector<16xi1>
      %reduce_max3A_501 = arith.constant -2147483648 : i32
      %reduce_max3A_502 = vector.broadcast %reduce_max3A_501 : i32 to vector<16xi32>
      %reduce_max3A_503 = arith.xori %select_n3A_498, %reduce_max3A_502 : vector<16xi32>
      %reduce_max3A_504 = tpu.scan <max>, %reduce_max3A_503 masked %reduce_max3A_500 : vector<16xi32>, vector<16xi1> -> vector<16xi32>
      %reduce_max3A_505 = arith.xori %reduce_max3A_504, %reduce_max3A_502 : vector<16xi32>
      %reduce_max3A_506 = vector.extract %reduce_max3A_505[15] : i32 from vector<16xi32>
      %broadcast_in_dim3A_507 = vector.broadcast %reduce_max3A_506 : i32 to vector<16xi32>
      %mul3A_508 = arith.constant 16 : i32
      %mul3A_509 = arith.muli %scan3A_314, %mul3A_508 : i32
      %add3A_510 = arith.constant 6 : i32
      %add3A_511 = arith.addi %mul3A_509, %add3A_510 : i32
      %broadcast_in_dim3A_512 = vector.broadcast %add3A_511 : i32 to vector<16xi32>
      %gather3A_513 = tpu.vector_load_idx %arg12[%iota3A, %broadcast_in_dim3A_507] : memref<32x128xf32, #tpu.memory_space<vmem>>[vector<16xi32>, vector<16xi32>], vector<16xf32>,
      tpu.vector_store_idx %arg22[%iota3A, %broadcast_in_dim3A_512], %gather3A_513 : memref<32x512xf32, #tpu.memory_space<vmem>>[vector<16xi32>, vector<16xi32>], vector<16xf32>,
      %gather3A_514 = tpu.vector_load_idx %arg12[%add3A_5, %broadcast_in_dim3A_507] : memref<32x128xf32, #tpu.memory_space<vmem>>[vector<16xi32>, vector<16xi32>], vector<16xf32>,
      tpu.vector_store_idx %arg22[%add3A_5, %broadcast_in_dim3A_512], %gather3A_514 : memref<32x512xf32, #tpu.memory_space<vmem>>[vector<16xi32>, vector<16xi32>], vector<16xf32>,
      %dma_wait3A_515 = arith.constant 0 : i32
      %dma_wait3A_516 = arith.constant 0 : i32
      %dma_wait3A_517 = tpu.memref_slice %arg3[%dma_wait3A_515, %dma_wait3A_516] : memref<32x1000000xf32, #tpu.memory_space<hbm>> -> memref<32x128xf32, #tpu.memory_space<hbm>>
      %dma_wait3A_518 = arith.constant 0 : i32
      %dma_wait3A_519 = arith.constant 0 : i32
      %dma_wait3A_520 = tpu.memref_slice %arg3[%dma_wait3A_518, %dma_wait3A_519] : memref<32x1000000xf32, #tpu.memory_space<hbm>> -> memref<32x128xf32, #tpu.memory_space<hbm>>
      tpu.wait_dma2 semaphore(%arg30 : memref<!tpu.dma_semaphore, #tpu.memory_space<semaphore_mem>>) src(%dma_wait3A_520 : memref<32x128xf32, #tpu.memory_space<hbm>>) dst(%arg13 : memref<32x128xf32, #tpu.memory_space<vmem>>)
      %eq3A_521 = arith.constant 7 : i32
      %eq3A_522 = vector.broadcast %eq3A_521 : i32 to vector<16xi32>
      %eq3A_523 = arith.cmpi eq, %iota3A_6, %eq3A_522 : vector<16xi32>
      %jit3A_524 = arith.constant 0 : i32
      %broadcast_in_dim3A_525 = vector.broadcast %jit3A_524 : i32 to vector<16xi32>
      %select_n3A_526 = arith.select %eq3A_523, %and3A_320, %broadcast_in_dim3A_525 : vector<16xi1>, vector<16xi32>
      %reduce_max3A_527 = arith.constant true
      %reduce_max3A_528 = vector.broadcast %reduce_max3A_527 : i1 to vector<16xi1>
      %reduce_max3A_529 = arith.constant -2147483648 : i32
      %reduce_max3A_530 = vector.broadcast %reduce_max3A_529 : i32 to vector<16xi32>
      %reduce_max3A_531 = arith.xori %select_n3A_526, %reduce_max3A_530 : vector<16xi32>
      %reduce_max3A_532 = tpu.scan <max>, %reduce_max3A_531 masked %reduce_max3A_528 : vector<16xi32>, vector<16xi1> -> vector<16xi32>
      %reduce_max3A_533 = arith.xori %reduce_max3A_532, %reduce_max3A_530 : vector<16xi32>
      %reduce_max3A_534 = vector.extract %reduce_max3A_533[15] : i32 from vector<16xi32>
      %broadcast_in_dim3A_535 = vector.broadcast %reduce_max3A_534 : i32 to vector<16xi32>
      %mul3A_536 = arith.constant 16 : i32
      %mul3A_537 = arith.muli %scan3A_314, %mul3A_536 : i32
      %add3A_538 = arith.constant 7 : i32
      %add3A_539 = arith.addi %mul3A_537, %add3A_538 : i32
      %broadcast_in_dim3A_540 = vector.broadcast %add3A_539 : i32 to vector<16xi32>
      %gather3A_541 = tpu.vector_load_idx %arg13[%iota3A, %broadcast_in_dim3A_535] : memref<32x128xf32, #tpu.memory_space<vmem>>[vector<16xi32>, vector<16xi32>], vector<16xf32>,
      tpu.vector_store_idx %arg22[%iota3A, %broadcast_in_dim3A_540], %gather3A_541 : memref<32x512xf32, #tpu.memory_space<vmem>>[vector<16xi32>, vector<16xi32>], vector<16xf32>,
      %gather3A_542 = tpu.vector_load_idx %arg13[%add3A_5, %broadcast_in_dim3A_535] : memref<32x128xf32, #tpu.memory_space<vmem>>[vector<16xi32>, vector<16xi32>], vector<16xf32>,
      tpu.vector_store_idx %arg22[%add3A_5, %broadcast_in_dim3A_540], %gather3A_542 : memref<32x512xf32, #tpu.memory_space<vmem>>[vector<16xi32>, vector<16xi32>], vector<16xf32>,
      %dma_wait3A_543 = arith.constant 0 : i32
      %dma_wait3A_544 = arith.constant 0 : i32
      %dma_wait3A_545 = tpu.memref_slice %arg3[%dma_wait3A_543, %dma_wait3A_544] : memref<32x1000000xf32, #tpu.memory_space<hbm>> -> memref<32x128xf32, #tpu.memory_space<hbm>>
      %dma_wait3A_546 = arith.constant 0 : i32
      %dma_wait3A_547 = arith.constant 0 : i32
      %dma_wait3A_548 = tpu.memref_slice %arg3[%dma_wait3A_546, %dma_wait3A_547] : memref<32x1000000xf32, #tpu.memory_space<hbm>> -> memref<32x128xf32, #tpu.memory_space<hbm>>
      tpu.wait_dma2 semaphore(%arg31 : memref<!tpu.dma_semaphore, #tpu.memory_space<semaphore_mem>>) src(%dma_wait3A_548 : memref<32x128xf32, #tpu.memory_space<hbm>>) dst(%arg14 : memref<32x128xf32, #tpu.memory_space<vmem>>)
      %eq3A_549 = arith.constant 8 : i32
      %eq3A_550 = vector.broadcast %eq3A_549 : i32 to vector<16xi32>
      %eq3A_551 = arith.cmpi eq, %iota3A_6, %eq3A_550 : vector<16xi32>
      %jit3A_552 = arith.constant 0 : i32
      %broadcast_in_dim3A_553 = vector.broadcast %jit3A_552 : i32 to vector<16xi32>
      %select_n3A_554 = arith.select %eq3A_551, %and3A_320, %broadcast_in_dim3A_553 : vector<16xi1>, vector<16xi32>
      %reduce_max3A_555 = arith.constant true
      %reduce_max3A_556 = vector.broadcast %reduce_max3A_555 : i1 to vector<16xi1>
      %reduce_max3A_557 = arith.constant -2147483648 : i32
      %reduce_max3A_558 = vector.broadcast %reduce_max3A_557 : i32 to vector<16xi32>
      %reduce_max3A_559 = arith.xori %select_n3A_554, %reduce_max3A_558 : vector<16xi32>
      %reduce_max3A_560 = tpu.scan <max>, %reduce_max3A_559 masked %reduce_max3A_556 : vector<16xi32>, vector<16xi1> -> vector<16xi32>
      %reduce_max3A_561 = arith.xori %reduce_max3A_560, %reduce_max3A_558 : vector<16xi32>
      %reduce_max3A_562 = vector.extract %reduce_max3A_561[15] : i32 from vector<16xi32>
      %broadcast_in_dim3A_563 = vector.broadcast %reduce_max3A_562 : i32 to vector<16xi32>
      %mul3A_564 = arith.constant 16 : i32
      %mul3A_565 = arith.muli %scan3A_314, %mul3A_564 : i32
      %add3A_566 = arith.constant 8 : i32
      %add3A_567 = arith.addi %mul3A_565, %add3A_566 : i32
      %broadcast_in_dim3A_568 = vector.broadcast %add3A_567 : i32 to vector<16xi32>
      %gather3A_569 = tpu.vector_load_idx %arg14[%iota3A, %broadcast_in_dim3A_563] : memref<32x128xf32, #tpu.memory_space<vmem>>[vector<16xi32>, vector<16xi32>], vector<16xf32>,
      tpu.vector_store_idx %arg22[%iota3A, %broadcast_in_dim3A_568], %gather3A_569 : memref<32x512xf32, #tpu.memory_space<vmem>>[vector<16xi32>, vector<16xi32>], vector<16xf32>,
      %gather3A_570 = tpu.vector_load_idx %arg14[%add3A_5, %broadcast_in_dim3A_563] : memref<32x128xf32, #tpu.memory_space<vmem>>[vector<16xi32>, vector<16xi32>], vector<16xf32>,
      tpu.vector_store_idx %arg22[%add3A_5, %broadcast_in_dim3A_568], %gather3A_570 : memref<32x512xf32, #tpu.memory_space<vmem>>[vector<16xi32>, vector<16xi32>], vector<16xf32>,
      %dma_wait3A_571 = arith.constant 0 : i32
      %dma_wait3A_572 = arith.constant 0 : i32
      %dma_wait3A_573 = tpu.memref_slice %arg3[%dma_wait3A_571, %dma_wait3A_572] : memref<32x1000000xf32, #tpu.memory_space<hbm>> -> memref<32x128xf32, #tpu.memory_space<hbm>>
      %dma_wait3A_574 = arith.constant 0 : i32
      %dma_wait3A_575 = arith.constant 0 : i32
      %dma_wait3A_576 = tpu.memref_slice %arg3[%dma_wait3A_574, %dma_wait3A_575] : memref<32x1000000xf32, #tpu.memory_space<hbm>> -> memref<32x128xf32, #tpu.memory_space<hbm>>
      tpu.wait_dma2 semaphore(%arg32 : memref<!tpu.dma_semaphore, #tpu.memory_space<semaphore_mem>>) src(%dma_wait3A_576 : memref<32x128xf32, #tpu.memory_space<hbm>>) dst(%arg15 : memref<32x128xf32, #tpu.memory_space<vmem>>)
      %eq3A_577 = arith.constant 9 : i32
      %eq3A_578 = vector.broadcast %eq3A_577 : i32 to vector<16xi32>
      %eq3A_579 = arith.cmpi eq, %iota3A_6, %eq3A_578 : vector<16xi32>
      %jit3A_580 = arith.constant 0 : i32
      %broadcast_in_dim3A_581 = vector.broadcast %jit3A_580 : i32 to vector<16xi32>
      %select_n3A_582 = arith.select %eq3A_579, %and3A_320, %broadcast_in_dim3A_581 : vector<16xi1>, vector<16xi32>
      %reduce_max3A_583 = arith.constant true
      %reduce_max3A_584 = vector.broadcast %reduce_max3A_583 : i1 to vector<16xi1>
      %reduce_max3A_585 = arith.constant -2147483648 : i32
      %reduce_max3A_586 = vector.broadcast %reduce_max3A_585 : i32 to vector<16xi32>
      %reduce_max3A_587 = arith.xori %select_n3A_582, %reduce_max3A_586 : vector<16xi32>
      %reduce_max3A_588 = tpu.scan <max>, %reduce_max3A_587 masked %reduce_max3A_584 : vector<16xi32>, vector<16xi1> -> vector<16xi32>
      %reduce_max3A_589 = arith.xori %reduce_max3A_588, %reduce_max3A_586 : vector<16xi32>
      %reduce_max3A_590 = vector.extract %reduce_max3A_589[15] : i32 from vector<16xi32>
      %broadcast_in_dim3A_591 = vector.broadcast %reduce_max3A_590 : i32 to vector<16xi32>
      %mul3A_592 = arith.constant 16 : i32
      %mul3A_593 = arith.muli %scan3A_314, %mul3A_592 : i32
      %add3A_594 = arith.constant 9 : i32
      %add3A_595 = arith.addi %mul3A_593, %add3A_594 : i32
      %broadcast_in_dim3A_596 = vector.broadcast %add3A_595 : i32 to vector<16xi32>
      %gather3A_597 = tpu.vector_load_idx %arg15[%iota3A, %broadcast_in_dim3A_591] : memref<32x128xf32, #tpu.memory_space<vmem>>[vector<16xi32>, vector<16xi32>], vector<16xf32>,
      tpu.vector_store_idx %arg22[%iota3A, %broadcast_in_dim3A_596], %gather3A_597 : memref<32x512xf32, #tpu.memory_space<vmem>>[vector<16xi32>, vector<16xi32>], vector<16xf32>,
      %gather3A_598 = tpu.vector_load_idx %arg15[%add3A_5, %broadcast_in_dim3A_591] : memref<32x128xf32, #tpu.memory_space<vmem>>[vector<16xi32>, vector<16xi32>], vector<16xf32>,
      tpu.vector_store_idx %arg22[%add3A_5, %broadcast_in_dim3A_596], %gather3A_598 : memref<32x512xf32, #tpu.memory_space<vmem>>[vector<16xi32>, vector<16xi32>], vector<16xf32>,
      %dma_wait3A_599 = arith.constant 0 : i32
      %dma_wait3A_600 = arith.constant 0 : i32
      %dma_wait3A_601 = tpu.memref_slice %arg3[%dma_wait3A_599, %dma_wait3A_600] : memref<32x1000000xf32, #tpu.memory_space<hbm>> -> memref<32x128xf32, #tpu.memory_space<hbm>>
      %dma_wait3A_602 = arith.constant 0 : i32
      %dma_wait3A_603 = arith.constant 0 : i32
      %dma_wait3A_604 = tpu.memref_slice %arg3[%dma_wait3A_602, %dma_wait3A_603] : memref<32x1000000xf32, #tpu.memory_space<hbm>> -> memref<32x128xf32, #tpu.memory_space<hbm>>
      tpu.wait_dma2 semaphore(%arg33 : memref<!tpu.dma_semaphore, #tpu.memory_space<semaphore_mem>>) src(%dma_wait3A_604 : memref<32x128xf32, #tpu.memory_space<hbm>>) dst(%arg16 : memref<32x128xf32, #tpu.memory_space<vmem>>)
      %eq3A_605 = arith.constant 10 : i32
      %eq3A_606 = vector.broadcast %eq3A_605 : i32 to vector<16xi32>
      %eq3A_607 = arith.cmpi eq, %iota3A_6, %eq3A_606 : vector<16xi32>
      %jit3A_608 = arith.constant 0 : i32
      %broadcast_in_dim3A_609 = vector.broadcast %jit3A_608 : i32 to vector<16xi32>
      %select_n3A_610 = arith.select %eq3A_607, %and3A_320, %broadcast_in_dim3A_609 : vector<16xi1>, vector<16xi32>
      %reduce_max3A_611 = arith.constant true
      %reduce_max3A_612 = vector.broadcast %reduce_max3A_611 : i1 to vector<16xi1>
      %reduce_max3A_613 = arith.constant -2147483648 : i32
      %reduce_max3A_614 = vector.broadcast %reduce_max3A_613 : i32 to vector<16xi32>
      %reduce_max3A_615 = arith.xori %select_n3A_610, %reduce_max3A_614 : vector<16xi32>
      %reduce_max3A_616 = tpu.scan <max>, %reduce_max3A_615 masked %reduce_max3A_612 : vector<16xi32>, vector<16xi1> -> vector<16xi32>
      %reduce_max3A_617 = arith.xori %reduce_max3A_616, %reduce_max3A_614 : vector<16xi32>
      %reduce_max3A_618 = vector.extract %reduce_max3A_617[15] : i32 from vector<16xi32>
      %broadcast_in_dim3A_619 = vector.broadcast %reduce_max3A_618 : i32 to vector<16xi32>
      %mul3A_620 = arith.constant 16 : i32
      %mul3A_621 = arith.muli %scan3A_314, %mul3A_620 : i32
      %add3A_622 = arith.constant 10 : i32
      %add3A_623 = arith.addi %mul3A_621, %add3A_622 : i32
      %broadcast_in_dim3A_624 = vector.broadcast %add3A_623 : i32 to vector<16xi32>
      %gather3A_625 = tpu.vector_load_idx %arg16[%iota3A, %broadcast_in_dim3A_619] : memref<32x128xf32, #tpu.memory_space<vmem>>[vector<16xi32>, vector<16xi32>], vector<16xf32>,
      tpu.vector_store_idx %arg22[%iota3A, %broadcast_in_dim3A_624], %gather3A_625 : memref<32x512xf32, #tpu.memory_space<vmem>>[vector<16xi32>, vector<16xi32>], vector<16xf32>,
      %gather3A_626 = tpu.vector_load_idx %arg16[%add3A_5, %broadcast_in_dim3A_619] : memref<32x128xf32, #tpu.memory_space<vmem>>[vector<16xi32>, vector<16xi32>], vector<16xf32>,
      tpu.vector_store_idx %arg22[%add3A_5, %broadcast_in_dim3A_624], %gather3A_626 : memref<32x512xf32, #tpu.memory_space<vmem>>[vector<16xi32>, vector<16xi32>], vector<16xf32>,
      %dma_wait3A_627 = arith.constant 0 : i32
      %dma_wait3A_628 = arith.constant 0 : i32
      %dma_wait3A_629 = tpu.memref_slice %arg3[%dma_wait3A_627, %dma_wait3A_628] : memref<32x1000000xf32, #tpu.memory_space<hbm>> -> memref<32x128xf32, #tpu.memory_space<hbm>>
      %dma_wait3A_630 = arith.constant 0 : i32
      %dma_wait3A_631 = arith.constant 0 : i32
      %dma_wait3A_632 = tpu.memref_slice %arg3[%dma_wait3A_630, %dma_wait3A_631] : memref<32x1000000xf32, #tpu.memory_space<hbm>> -> memref<32x128xf32, #tpu.memory_space<hbm>>
      tpu.wait_dma2 semaphore(%arg34 : memref<!tpu.dma_semaphore, #tpu.memory_space<semaphore_mem>>) src(%dma_wait3A_632 : memref<32x128xf32, #tpu.memory_space<hbm>>) dst(%arg17 : memref<32x128xf32, #tpu.memory_space<vmem>>)
      %eq3A_633 = arith.constant 11 : i32
      %eq3A_634 = vector.broadcast %eq3A_633 : i32 to vector<16xi32>
      %eq3A_635 = arith.cmpi eq, %iota3A_6, %eq3A_634 : vector<16xi32>
      %jit3A_636 = arith.constant 0 : i32
      %broadcast_in_dim3A_637 = vector.broadcast %jit3A_636 : i32 to vector<16xi32>
      %select_n3A_638 = arith.select %eq3A_635, %and3A_320, %broadcast_in_dim3A_637 : vector<16xi1>, vector<16xi32>
      %reduce_max3A_639 = arith.constant true
      %reduce_max3A_640 = vector.broadcast %reduce_max3A_639 : i1 to vector<16xi1>
      %reduce_max3A_641 = arith.constant -2147483648 : i32
      %reduce_max3A_642 = vector.broadcast %reduce_max3A_641 : i32 to vector<16xi32>
      %reduce_max3A_643 = arith.xori %select_n3A_638, %reduce_max3A_642 : vector<16xi32>
      %reduce_max3A_644 = tpu.scan <max>, %reduce_max3A_643 masked %reduce_max3A_640 : vector<16xi32>, vector<16xi1> -> vector<16xi32>
      %reduce_max3A_645 = arith.xori %reduce_max3A_644, %reduce_max3A_642 : vector<16xi32>
      %reduce_max3A_646 = vector.extract %reduce_max3A_645[15] : i32 from vector<16xi32>
      %broadcast_in_dim3A_647 = vector.broadcast %reduce_max3A_646 : i32 to vector<16xi32>
      %mul3A_648 = arith.constant 16 : i32
      %mul3A_649 = arith.muli %scan3A_314, %mul3A_648 : i32
      %add3A_650 = arith.constant 11 : i32
      %add3A_651 = arith.addi %mul3A_649, %add3A_650 : i32
      %broadcast_in_dim3A_652 = vector.broadcast %add3A_651 : i32 to vector<16xi32>
      %gather3A_653 = tpu.vector_load_idx %arg17[%iota3A, %broadcast_in_dim3A_647] : memref<32x128xf32, #tpu.memory_space<vmem>>[vector<16xi32>, vector<16xi32>], vector<16xf32>,
      tpu.vector_store_idx %arg22[%iota3A, %broadcast_in_dim3A_652], %gather3A_653 : memref<32x512xf32, #tpu.memory_space<vmem>>[vector<16xi32>, vector<16xi32>], vector<16xf32>,
      %gather3A_654 = tpu.vector_load_idx %arg17[%add3A_5, %broadcast_in_dim3A_647] : memref<32x128xf32, #tpu.memory_space<vmem>>[vector<16xi32>, vector<16xi32>], vector<16xf32>,
      tpu.vector_store_idx %arg22[%add3A_5, %broadcast_in_dim3A_652], %gather3A_654 : memref<32x512xf32, #tpu.memory_space<vmem>>[vector<16xi32>, vector<16xi32>], vector<16xf32>,
      %dma_wait3A_655 = arith.constant 0 : i32
      %dma_wait3A_656 = arith.constant 0 : i32
      %dma_wait3A_657 = tpu.memref_slice %arg3[%dma_wait3A_655, %dma_wait3A_656] : memref<32x1000000xf32, #tpu.memory_space<hbm>> -> memref<32x128xf32, #tpu.memory_space<hbm>>
      %dma_wait3A_658 = arith.constant 0 : i32
      %dma_wait3A_659 = arith.constant 0 : i32
      %dma_wait3A_660 = tpu.memref_slice %arg3[%dma_wait3A_658, %dma_wait3A_659] : memref<32x1000000xf32, #tpu.memory_space<hbm>> -> memref<32x128xf32, #tpu.memory_space<hbm>>
      tpu.wait_dma2 semaphore(%arg35 : memref<!tpu.dma_semaphore, #tpu.memory_space<semaphore_mem>>) src(%dma_wait3A_660 : memref<32x128xf32, #tpu.memory_space<hbm>>) dst(%arg18 : memref<32x128xf32, #tpu.memory_space<vmem>>)
      %eq3A_661 = arith.constant 12 : i32
      %eq3A_662 = vector.broadcast %eq3A_661 : i32 to vector<16xi32>
      %eq3A_663 = arith.cmpi eq, %iota3A_6, %eq3A_662 : vector<16xi32>
      %jit3A_664 = arith.constant 0 : i32
      %broadcast_in_dim3A_665 = vector.broadcast %jit3A_664 : i32 to vector<16xi32>
      %select_n3A_666 = arith.select %eq3A_663, %and3A_320, %broadcast_in_dim3A_665 : vector<16xi1>, vector<16xi32>
      %reduce_max3A_667 = arith.constant true
      %reduce_max3A_668 = vector.broadcast %reduce_max3A_667 : i1 to vector<16xi1>
      %reduce_max3A_669 = arith.constant -2147483648 : i32
      %reduce_max3A_670 = vector.broadcast %reduce_max3A_669 : i32 to vector<16xi32>
      %reduce_max3A_671 = arith.xori %select_n3A_666, %reduce_max3A_670 : vector<16xi32>
      %reduce_max3A_672 = tpu.scan <max>, %reduce_max3A_671 masked %reduce_max3A_668 : vector<16xi32>, vector<16xi1> -> vector<16xi32>
      %reduce_max3A_673 = arith.xori %reduce_max3A_672, %reduce_max3A_670 : vector<16xi32>
      %reduce_max3A_674 = vector.extract %reduce_max3A_673[15] : i32 from vector<16xi32>
      %broadcast_in_dim3A_675 = vector.broadcast %reduce_max3A_674 : i32 to vector<16xi32>
      %mul3A_676 = arith.constant 16 : i32
      %mul3A_677 = arith.muli %scan3A_314, %mul3A_676 : i32
      %add3A_678 = arith.constant 12 : i32
      %add3A_679 = arith.addi %mul3A_677, %add3A_678 : i32
      %broadcast_in_dim3A_680 = vector.broadcast %add3A_679 : i32 to vector<16xi32>
      %gather3A_681 = tpu.vector_load_idx %arg18[%iota3A, %broadcast_in_dim3A_675] : memref<32x128xf32, #tpu.memory_space<vmem>>[vector<16xi32>, vector<16xi32>], vector<16xf32>,
      tpu.vector_store_idx %arg22[%iota3A, %broadcast_in_dim3A_680], %gather3A_681 : memref<32x512xf32, #tpu.memory_space<vmem>>[vector<16xi32>, vector<16xi32>], vector<16xf32>,
      %gather3A_682 = tpu.vector_load_idx %arg18[%add3A_5, %broadcast_in_dim3A_675] : memref<32x128xf32, #tpu.memory_space<vmem>>[vector<16xi32>, vector<16xi32>], vector<16xf32>,
      tpu.vector_store_idx %arg22[%add3A_5, %broadcast_in_dim3A_680], %gather3A_682 : memref<32x512xf32, #tpu.memory_space<vmem>>[vector<16xi32>, vector<16xi32>], vector<16xf32>,
      %dma_wait3A_683 = arith.constant 0 : i32
      %dma_wait3A_684 = arith.constant 0 : i32
      %dma_wait3A_685 = tpu.memref_slice %arg3[%dma_wait3A_683, %dma_wait3A_684] : memref<32x1000000xf32, #tpu.memory_space<hbm>> -> memref<32x128xf32, #tpu.memory_space<hbm>>
      %dma_wait3A_686 = arith.constant 0 : i32
      %dma_wait3A_687 = arith.constant 0 : i32
      %dma_wait3A_688 = tpu.memref_slice %arg3[%dma_wait3A_686, %dma_wait3A_687] : memref<32x1000000xf32, #tpu.memory_space<hbm>> -> memref<32x128xf32, #tpu.memory_space<hbm>>
      tpu.wait_dma2 semaphore(%arg36 : memref<!tpu.dma_semaphore, #tpu.memory_space<semaphore_mem>>) src(%dma_wait3A_688 : memref<32x128xf32, #tpu.memory_space<hbm>>) dst(%arg19 : memref<32x128xf32, #tpu.memory_space<vmem>>)
      %eq3A_689 = arith.constant 13 : i32
      %eq3A_690 = vector.broadcast %eq3A_689 : i32 to vector<16xi32>
      %eq3A_691 = arith.cmpi eq, %iota3A_6, %eq3A_690 : vector<16xi32>
      %jit3A_692 = arith.constant 0 : i32
      %broadcast_in_dim3A_693 = vector.broadcast %jit3A_692 : i32 to vector<16xi32>
      %select_n3A_694 = arith.select %eq3A_691, %and3A_320, %broadcast_in_dim3A_693 : vector<16xi1>, vector<16xi32>
      %reduce_max3A_695 = arith.constant true
      %reduce_max3A_696 = vector.broadcast %reduce_max3A_695 : i1 to vector<16xi1>
      %reduce_max3A_697 = arith.constant -2147483648 : i32
      %reduce_max3A_698 = vector.broadcast %reduce_max3A_697 : i32 to vector<16xi32>
      %reduce_max3A_699 = arith.xori %select_n3A_694, %reduce_max3A_698 : vector<16xi32>
      %reduce_max3A_700 = tpu.scan <max>, %reduce_max3A_699 masked %reduce_max3A_696 : vector<16xi32>, vector<16xi1> -> vector<16xi32>
      %reduce_max3A_701 = arith.xori %reduce_max3A_700, %reduce_max3A_698 : vector<16xi32>
      %reduce_max3A_702 = vector.extract %reduce_max3A_701[15] : i32 from vector<16xi32>
      %broadcast_in_dim3A_703 = vector.broadcast %reduce_max3A_702 : i32 to vector<16xi32>
      %mul3A_704 = arith.constant 16 : i32
      %mul3A_705 = arith.muli %scan3A_314, %mul3A_704 : i32
      %add3A_706 = arith.constant 13 : i32
      %add3A_707 = arith.addi %mul3A_705, %add3A_706 : i32
      %broadcast_in_dim3A_708 = vector.broadcast %add3A_707 : i32 to vector<16xi32>
      %gather3A_709 = tpu.vector_load_idx %arg19[%iota3A, %broadcast_in_dim3A_703] : memref<32x128xf32, #tpu.memory_space<vmem>>[vector<16xi32>, vector<16xi32>], vector<16xf32>,
      tpu.vector_store_idx %arg22[%iota3A, %broadcast_in_dim3A_708], %gather3A_709 : memref<32x512xf32, #tpu.memory_space<vmem>>[vector<16xi32>, vector<16xi32>], vector<16xf32>,
      %gather3A_710 = tpu.vector_load_idx %arg19[%add3A_5, %broadcast_in_dim3A_703] : memref<32x128xf32, #tpu.memory_space<vmem>>[vector<16xi32>, vector<16xi32>], vector<16xf32>,
      tpu.vector_store_idx %arg22[%add3A_5, %broadcast_in_dim3A_708], %gather3A_710 : memref<32x512xf32, #tpu.memory_space<vmem>>[vector<16xi32>, vector<16xi32>], vector<16xf32>,
      %dma_wait3A_711 = arith.constant 0 : i32
      %dma_wait3A_712 = arith.constant 0 : i32
      %dma_wait3A_713 = tpu.memref_slice %arg3[%dma_wait3A_711, %dma_wait3A_712] : memref<32x1000000xf32, #tpu.memory_space<hbm>> -> memref<32x128xf32, #tpu.memory_space<hbm>>
      %dma_wait3A_714 = arith.constant 0 : i32
      %dma_wait3A_715 = arith.constant 0 : i32
      %dma_wait3A_716 = tpu.memref_slice %arg3[%dma_wait3A_714, %dma_wait3A_715] : memref<32x1000000xf32, #tpu.memory_space<hbm>> -> memref<32x128xf32, #tpu.memory_space<hbm>>
      tpu.wait_dma2 semaphore(%arg37 : memref<!tpu.dma_semaphore, #tpu.memory_space<semaphore_mem>>) src(%dma_wait3A_716 : memref<32x128xf32, #tpu.memory_space<hbm>>) dst(%arg20 : memref<32x128xf32, #tpu.memory_space<vmem>>)
      %eq3A_717 = arith.constant 14 : i32
      %eq3A_718 = vector.broadcast %eq3A_717 : i32 to vector<16xi32>
      %eq3A_719 = arith.cmpi eq, %iota3A_6, %eq3A_718 : vector<16xi32>
      %jit3A_720 = arith.constant 0 : i32
      %broadcast_in_dim3A_721 = vector.broadcast %jit3A_720 : i32 to vector<16xi32>
      %select_n3A_722 = arith.select %eq3A_719, %and3A_320, %broadcast_in_dim3A_721 : vector<16xi1>, vector<16xi32>
      %reduce_max3A_723 = arith.constant true
      %reduce_max3A_724 = vector.broadcast %reduce_max3A_723 : i1 to vector<16xi1>
      %reduce_max3A_725 = arith.constant -2147483648 : i32
      %reduce_max3A_726 = vector.broadcast %reduce_max3A_725 : i32 to vector<16xi32>
      %reduce_max3A_727 = arith.xori %select_n3A_722, %reduce_max3A_726 : vector<16xi32>
      %reduce_max3A_728 = tpu.scan <max>, %reduce_max3A_727 masked %reduce_max3A_724 : vector<16xi32>, vector<16xi1> -> vector<16xi32>
      %reduce_max3A_729 = arith.xori %reduce_max3A_728, %reduce_max3A_726 : vector<16xi32>
      %reduce_max3A_730 = vector.extract %reduce_max3A_729[15] : i32 from vector<16xi32>
      %broadcast_in_dim3A_731 = vector.broadcast %reduce_max3A_730 : i32 to vector<16xi32>
      %mul3A_732 = arith.constant 16 : i32
      %mul3A_733 = arith.muli %scan3A_314, %mul3A_732 : i32
      %add3A_734 = arith.constant 14 : i32
      %add3A_735 = arith.addi %mul3A_733, %add3A_734 : i32
      %broadcast_in_dim3A_736 = vector.broadcast %add3A_735 : i32 to vector<16xi32>
      %gather3A_737 = tpu.vector_load_idx %arg20[%iota3A, %broadcast_in_dim3A_731] : memref<32x128xf32, #tpu.memory_space<vmem>>[vector<16xi32>, vector<16xi32>], vector<16xf32>,
      tpu.vector_store_idx %arg22[%iota3A, %broadcast_in_dim3A_736], %gather3A_737 : memref<32x512xf32, #tpu.memory_space<vmem>>[vector<16xi32>, vector<16xi32>], vector<16xf32>,
      %gather3A_738 = tpu.vector_load_idx %arg20[%add3A_5, %broadcast_in_dim3A_731] : memref<32x128xf32, #tpu.memory_space<vmem>>[vector<16xi32>, vector<16xi32>], vector<16xf32>,
      tpu.vector_store_idx %arg22[%add3A_5, %broadcast_in_dim3A_736], %gather3A_738 : memref<32x512xf32, #tpu.memory_space<vmem>>[vector<16xi32>, vector<16xi32>], vector<16xf32>,
      %dma_wait3A_739 = arith.constant 0 : i32
      %dma_wait3A_740 = arith.constant 0 : i32
      %dma_wait3A_741 = tpu.memref_slice %arg3[%dma_wait3A_739, %dma_wait3A_740] : memref<32x1000000xf32, #tpu.memory_space<hbm>> -> memref<32x128xf32, #tpu.memory_space<hbm>>
      %dma_wait3A_742 = arith.constant 0 : i32
      %dma_wait3A_743 = arith.constant 0 : i32
      %dma_wait3A_744 = tpu.memref_slice %arg3[%dma_wait3A_742, %dma_wait3A_743] : memref<32x1000000xf32, #tpu.memory_space<hbm>> -> memref<32x128xf32, #tpu.memory_space<hbm>>
      tpu.wait_dma2 semaphore(%arg38 : memref<!tpu.dma_semaphore, #tpu.memory_space<semaphore_mem>>) src(%dma_wait3A_744 : memref<32x128xf32, #tpu.memory_space<hbm>>) dst(%arg21 : memref<32x128xf32, #tpu.memory_space<vmem>>)
      %eq3A_745 = arith.constant 15 : i32
      %eq3A_746 = vector.broadcast %eq3A_745 : i32 to vector<16xi32>
      %eq3A_747 = arith.cmpi eq, %iota3A_6, %eq3A_746 : vector<16xi32>
      %jit3A_748 = arith.constant 0 : i32
      %broadcast_in_dim3A_749 = vector.broadcast %jit3A_748 : i32 to vector<16xi32>
      %select_n3A_750 = arith.select %eq3A_747, %and3A_320, %broadcast_in_dim3A_749 : vector<16xi1>, vector<16xi32>
      %reduce_max3A_751 = arith.constant true
      %reduce_max3A_752 = vector.broadcast %reduce_max3A_751 : i1 to vector<16xi1>
      %reduce_max3A_753 = arith.constant -2147483648 : i32
      %reduce_max3A_754 = vector.broadcast %reduce_max3A_753 : i32 to vector<16xi32>
      %reduce_max3A_755 = arith.xori %select_n3A_750, %reduce_max3A_754 : vector<16xi32>
      %reduce_max3A_756 = tpu.scan <max>, %reduce_max3A_755 masked %reduce_max3A_752 : vector<16xi32>, vector<16xi1> -> vector<16xi32>
      %reduce_max3A_757 = arith.xori %reduce_max3A_756, %reduce_max3A_754 : vector<16xi32>
      %reduce_max3A_758 = vector.extract %reduce_max3A_757[15] : i32 from vector<16xi32>
      %broadcast_in_dim3A_759 = vector.broadcast %reduce_max3A_758 : i32 to vector<16xi32>
      %mul3A_760 = arith.constant 16 : i32
      %mul3A_761 = arith.muli %scan3A_314, %mul3A_760 : i32
      %add3A_762 = arith.constant 15 : i32
      %add3A_763 = arith.addi %mul3A_761, %add3A_762 : i32
      %broadcast_in_dim3A_764 = vector.broadcast %add3A_763 : i32 to vector<16xi32>
      %gather3A_765 = tpu.vector_load_idx %arg21[%iota3A, %broadcast_in_dim3A_759] : memref<32x128xf32, #tpu.memory_space<vmem>>[vector<16xi32>, vector<16xi32>], vector<16xf32>,
      tpu.vector_store_idx %arg22[%iota3A, %broadcast_in_dim3A_764], %gather3A_765 : memref<32x512xf32, #tpu.memory_space<vmem>>[vector<16xi32>, vector<16xi32>], vector<16xf32>,
      %gather3A_766 = tpu.vector_load_idx %arg21[%add3A_5, %broadcast_in_dim3A_759] : memref<32x128xf32, #tpu.memory_space<vmem>>[vector<16xi32>, vector<16xi32>], vector<16xf32>,
      tpu.vector_store_idx %arg22[%add3A_5, %broadcast_in_dim3A_764], %gather3A_766 : memref<32x512xf32, #tpu.memory_space<vmem>>[vector<16xi32>, vector<16xi32>], vector<16xf32>,
      %add3A_767 = arith.constant 1 : i32
      %add3A_768 = arith.addi %scan3A_314, %add3A_767 : i32
      %lt3A = arith.constant 32 : i32
      %lt3A_769 = arith.cmpi slt, %add3A_768, %lt3A : i32
      %convert_element_type3A = arith.extui %lt3A_769 : i1 to i32
      %cond3A = arith.constant 0 : i32
      %cond3A_770 = arith.cmpi ne, %convert_element_type3A, %cond3A : i32
      scf.if %cond3A_770 {
        %add3A_771 = arith.constant 1 : i32
        %add3A_772 = arith.addi %scan3A_314, %add3A_771 : i32
        %mul3A_773 = arith.constant 16 : i32
        %mul3A_774 = arith.muli %add3A_772, %mul3A_773 : i32
        %get3A_775 = arith.index_cast %mul3A_774 : i32 to index
        %get3A_776 = tpu.vector_load %arg5[%get3A_775] {strides = array<i32>} : memref<512xi32, #tpu.memory_space<vmem>>, vector<16xi32>,
        %shift_right_logical3A_777 = arith.constant 7 : i32
        %shift_right_logical3A_778 = vector.broadcast %shift_right_logical3A_777 : i32 to vector<16xi32>
        %shift_right_logical3A_779 = arith.shrui %get3A_776, %shift_right_logical3A_778 : vector<16xi32>
        %shift_left3A_780 = arith.constant 7 : i32
        %shift_left3A_781 = vector.broadcast %shift_left3A_780 : i32 to vector<16xi32>
        %shift_left3A_782 = arith.shli %shift_right_logical3A_779, %shift_left3A_781 : vector<16xi32>
        %eq3A_783 = arith.constant 0 : i32
        %eq3A_784 = vector.broadcast %eq3A_783 : i32 to vector<16xi32>
        %eq3A_785 = arith.cmpi eq, %iota3A_6, %eq3A_784 : vector<16xi32>
        %jit3A_786 = arith.constant 0 : i32
        %broadcast_in_dim3A_787 = vector.broadcast %jit3A_786 : i32 to vector<16xi32>
        %select_n3A_788 = arith.select %eq3A_785, %shift_left3A_782, %broadcast_in_dim3A_787 : vector<16xi1>, vector<16xi32>
        %reduce_max3A_789 = arith.constant true
        %reduce_max3A_790 = vector.broadcast %reduce_max3A_789 : i1 to vector<16xi1>
        %reduce_max3A_791 = arith.constant -2147483648 : i32
        %reduce_max3A_792 = vector.broadcast %reduce_max3A_791 : i32 to vector<16xi32>
        %reduce_max3A_793 = arith.xori %select_n3A_788, %reduce_max3A_792 : vector<16xi32>
        %reduce_max3A_794 = tpu.scan <max>, %reduce_max3A_793 masked %reduce_max3A_790 : vector<16xi32>, vector<16xi1> -> vector<16xi32>
        %reduce_max3A_795 = arith.xori %reduce_max3A_794, %reduce_max3A_792 : vector<16xi32>
        %reduce_max3A_796 = vector.extract %reduce_max3A_795[15] : i32 from vector<16xi32>
        %multiple_of3A_797 = tpu.assume_multiple %reduce_max3A_796, 128 : i32
        %dma_start3A_798 = arith.constant 0 : i32
        %dma_start3A_799 = tpu.memref_slice %arg3[%dma_start3A_798, %multiple_of3A_797] : memref<32x1000000xf32, #tpu.memory_space<hbm>> -> memref<32x128xf32, #tpu.memory_space<hbm>>
        %dma_start3A_800 = arith.constant 0 : i32
        %dma_start3A_801 = tpu.memref_slice %arg3[%dma_start3A_800, %multiple_of3A_797] : memref<32x1000000xf32, #tpu.memory_space<hbm>> -> memref<32x128xf32, #tpu.memory_space<hbm>>
        tpu.enqueue_dma source(%dma_start3A_801 : memref<32x128xf32, #tpu.memory_space<hbm>>) target(%arg6 : memref<32x128xf32, #tpu.memory_space<vmem>>) target_semaphore(%arg23 : memref<!tpu.dma_semaphore, #tpu.memory_space<semaphore_mem>>)
        %eq3A_802 = arith.constant 1 : i32
        %eq3A_803 = vector.broadcast %eq3A_802 : i32 to vector<16xi32>
        %eq3A_804 = arith.cmpi eq, %iota3A_6, %eq3A_803 : vector<16xi32>
        %jit3A_805 = arith.constant 0 : i32
        %broadcast_in_dim3A_806 = vector.broadcast %jit3A_805 : i32 to vector<16xi32>
        %select_n3A_807 = arith.select %eq3A_804, %shift_left3A_782, %broadcast_in_dim3A_806 : vector<16xi1>, vector<16xi32>
        %reduce_max3A_808 = arith.constant true
        %reduce_max3A_809 = vector.broadcast %reduce_max3A_808 : i1 to vector<16xi1>
        %reduce_max3A_810 = arith.constant -2147483648 : i32
        %reduce_max3A_811 = vector.broadcast %reduce_max3A_810 : i32 to vector<16xi32>
        %reduce_max3A_812 = arith.xori %select_n3A_807, %reduce_max3A_811 : vector<16xi32>
        %reduce_max3A_813 = tpu.scan <max>, %reduce_max3A_812 masked %reduce_max3A_809 : vector<16xi32>, vector<16xi1> -> vector<16xi32>
        %reduce_max3A_814 = arith.xori %reduce_max3A_813, %reduce_max3A_811 : vector<16xi32>
        %reduce_max3A_815 = vector.extract %reduce_max3A_814[15] : i32 from vector<16xi32>
        %multiple_of3A_816 = tpu.assume_multiple %reduce_max3A_815, 128 : i32
        %dma_start3A_817 = arith.constant 0 : i32
        %dma_start3A_818 = tpu.memref_slice %arg3[%dma_start3A_817, %multiple_of3A_816] : memref<32x1000000xf32, #tpu.memory_space<hbm>> -> memref<32x128xf32, #tpu.memory_space<hbm>>
        %dma_start3A_819 = arith.constant 0 : i32
        %dma_start3A_820 = tpu.memref_slice %arg3[%dma_start3A_819, %multiple_of3A_816] : memref<32x1000000xf32, #tpu.memory_space<hbm>> -> memref<32x128xf32, #tpu.memory_space<hbm>>
        tpu.enqueue_dma source(%dma_start3A_820 : memref<32x128xf32, #tpu.memory_space<hbm>>) target(%arg7 : memref<32x128xf32, #tpu.memory_space<vmem>>) target_semaphore(%arg24 : memref<!tpu.dma_semaphore, #tpu.memory_space<semaphore_mem>>)
        %eq3A_821 = arith.constant 2 : i32
        %eq3A_822 = vector.broadcast %eq3A_821 : i32 to vector<16xi32>
        %eq3A_823 = arith.cmpi eq, %iota3A_6, %eq3A_822 : vector<16xi32>
        %jit3A_824 = arith.constant 0 : i32
        %broadcast_in_dim3A_825 = vector.broadcast %jit3A_824 : i32 to vector<16xi32>
        %select_n3A_826 = arith.select %eq3A_823, %shift_left3A_782, %broadcast_in_dim3A_825 : vector<16xi1>, vector<16xi32>
        %reduce_max3A_827 = arith.constant true
        %reduce_max3A_828 = vector.broadcast %reduce_max3A_827 : i1 to vector<16xi1>
        %reduce_max3A_829 = arith.constant -2147483648 : i32
        %reduce_max3A_830 = vector.broadcast %reduce_max3A_829 : i32 to vector<16xi32>
        %reduce_max3A_831 = arith.xori %select_n3A_826, %reduce_max3A_830 : vector<16xi32>
        %reduce_max3A_832 = tpu.scan <max>, %reduce_max3A_831 masked %reduce_max3A_828 : vector<16xi32>, vector<16xi1> -> vector<16xi32>
        %reduce_max3A_833 = arith.xori %reduce_max3A_832, %reduce_max3A_830 : vector<16xi32>
        %reduce_max3A_834 = vector.extract %reduce_max3A_833[15] : i32 from vector<16xi32>
        %multiple_of3A_835 = tpu.assume_multiple %reduce_max3A_834, 128 : i32
        %dma_start3A_836 = arith.constant 0 : i32
        %dma_start3A_837 = tpu.memref_slice %arg3[%dma_start3A_836, %multiple_of3A_835] : memref<32x1000000xf32, #tpu.memory_space<hbm>> -> memref<32x128xf32, #tpu.memory_space<hbm>>
        %dma_start3A_838 = arith.constant 0 : i32
        %dma_start3A_839 = tpu.memref_slice %arg3[%dma_start3A_838, %multiple_of3A_835] : memref<32x1000000xf32, #tpu.memory_space<hbm>> -> memref<32x128xf32, #tpu.memory_space<hbm>>
        tpu.enqueue_dma source(%dma_start3A_839 : memref<32x128xf32, #tpu.memory_space<hbm>>) target(%arg8 : memref<32x128xf32, #tpu.memory_space<vmem>>) target_semaphore(%arg25 : memref<!tpu.dma_semaphore, #tpu.memory_space<semaphore_mem>>)
        %eq3A_840 = arith.constant 3 : i32
        %eq3A_841 = vector.broadcast %eq3A_840 : i32 to vector<16xi32>
        %eq3A_842 = arith.cmpi eq, %iota3A_6, %eq3A_841 : vector<16xi32>
        %jit3A_843 = arith.constant 0 : i32
        %broadcast_in_dim3A_844 = vector.broadcast %jit3A_843 : i32 to vector<16xi32>
        %select_n3A_845 = arith.select %eq3A_842, %shift_left3A_782, %broadcast_in_dim3A_844 : vector<16xi1>, vector<16xi32>
        %reduce_max3A_846 = arith.constant true
        %reduce_max3A_847 = vector.broadcast %reduce_max3A_846 : i1 to vector<16xi1>
        %reduce_max3A_848 = arith.constant -2147483648 : i32
        %reduce_max3A_849 = vector.broadcast %reduce_max3A_848 : i32 to vector<16xi32>
        %reduce_max3A_850 = arith.xori %select_n3A_845, %reduce_max3A_849 : vector<16xi32>
        %reduce_max3A_851 = tpu.scan <max>, %reduce_max3A_850 masked %reduce_max3A_847 : vector<16xi32>, vector<16xi1> -> vector<16xi32>
        %reduce_max3A_852 = arith.xori %reduce_max3A_851, %reduce_max3A_849 : vector<16xi32>
        %reduce_max3A_853 = vector.extract %reduce_max3A_852[15] : i32 from vector<16xi32>
        %multiple_of3A_854 = tpu.assume_multiple %reduce_max3A_853, 128 : i32
        %dma_start3A_855 = arith.constant 0 : i32
        %dma_start3A_856 = tpu.memref_slice %arg3[%dma_start3A_855, %multiple_of3A_854] : memref<32x1000000xf32, #tpu.memory_space<hbm>> -> memref<32x128xf32, #tpu.memory_space<hbm>>
        %dma_start3A_857 = arith.constant 0 : i32
        %dma_start3A_858 = tpu.memref_slice %arg3[%dma_start3A_857, %multiple_of3A_854] : memref<32x1000000xf32, #tpu.memory_space<hbm>> -> memref<32x128xf32, #tpu.memory_space<hbm>>
        tpu.enqueue_dma source(%dma_start3A_858 : memref<32x128xf32, #tpu.memory_space<hbm>>) target(%arg9 : memref<32x128xf32, #tpu.memory_space<vmem>>) target_semaphore(%arg26 : memref<!tpu.dma_semaphore, #tpu.memory_space<semaphore_mem>>)
        %eq3A_859 = arith.constant 4 : i32
        %eq3A_860 = vector.broadcast %eq3A_859 : i32 to vector<16xi32>
        %eq3A_861 = arith.cmpi eq, %iota3A_6, %eq3A_860 : vector<16xi32>
        %jit3A_862 = arith.constant 0 : i32
        %broadcast_in_dim3A_863 = vector.broadcast %jit3A_862 : i32 to vector<16xi32>
        %select_n3A_864 = arith.select %eq3A_861, %shift_left3A_782, %broadcast_in_dim3A_863 : vector<16xi1>, vector<16xi32>
        %reduce_max3A_865 = arith.constant true
        %reduce_max3A_866 = vector.broadcast %reduce_max3A_865 : i1 to vector<16xi1>
        %reduce_max3A_867 = arith.constant -2147483648 : i32
        %reduce_max3A_868 = vector.broadcast %reduce_max3A_867 : i32 to vector<16xi32>
        %reduce_max3A_869 = arith.xori %select_n3A_864, %reduce_max3A_868 : vector<16xi32>
        %reduce_max3A_870 = tpu.scan <max>, %reduce_max3A_869 masked %reduce_max3A_866 : vector<16xi32>, vector<16xi1> -> vector<16xi32>
        %reduce_max3A_871 = arith.xori %reduce_max3A_870, %reduce_max3A_868 : vector<16xi32>
        %reduce_max3A_872 = vector.extract %reduce_max3A_871[15] : i32 from vector<16xi32>
        %multiple_of3A_873 = tpu.assume_multiple %reduce_max3A_872, 128 : i32
        %dma_start3A_874 = arith.constant 0 : i32
        %dma_start3A_875 = tpu.memref_slice %arg3[%dma_start3A_874, %multiple_of3A_873] : memref<32x1000000xf32, #tpu.memory_space<hbm>> -> memref<32x128xf32, #tpu.memory_space<hbm>>
        %dma_start3A_876 = arith.constant 0 : i32
        %dma_start3A_877 = tpu.memref_slice %arg3[%dma_start3A_876, %multiple_of3A_873] : memref<32x1000000xf32, #tpu.memory_space<hbm>> -> memref<32x128xf32, #tpu.memory_space<hbm>>
        tpu.enqueue_dma source(%dma_start3A_877 : memref<32x128xf32, #tpu.memory_space<hbm>>) target(%arg10 : memref<32x128xf32, #tpu.memory_space<vmem>>) target_semaphore(%arg27 : memref<!tpu.dma_semaphore, #tpu.memory_space<semaphore_mem>>)
        %eq3A_878 = arith.constant 5 : i32
        %eq3A_879 = vector.broadcast %eq3A_878 : i32 to vector<16xi32>
        %eq3A_880 = arith.cmpi eq, %iota3A_6, %eq3A_879 : vector<16xi32>
        %jit3A_881 = arith.constant 0 : i32
        %broadcast_in_dim3A_882 = vector.broadcast %jit3A_881 : i32 to vector<16xi32>
        %select_n3A_883 = arith.select %eq3A_880, %shift_left3A_782, %broadcast_in_dim3A_882 : vector<16xi1>, vector<16xi32>
        %reduce_max3A_884 = arith.constant true
        %reduce_max3A_885 = vector.broadcast %reduce_max3A_884 : i1 to vector<16xi1>
        %reduce_max3A_886 = arith.constant -2147483648 : i32
        %reduce_max3A_887 = vector.broadcast %reduce_max3A_886 : i32 to vector<16xi32>
        %reduce_max3A_888 = arith.xori %select_n3A_883, %reduce_max3A_887 : vector<16xi32>
        %reduce_max3A_889 = tpu.scan <max>, %reduce_max3A_888 masked %reduce_max3A_885 : vector<16xi32>, vector<16xi1> -> vector<16xi32>
        %reduce_max3A_890 = arith.xori %reduce_max3A_889, %reduce_max3A_887 : vector<16xi32>
        %reduce_max3A_891 = vector.extract %reduce_max3A_890[15] : i32 from vector<16xi32>
        %multiple_of3A_892 = tpu.assume_multiple %reduce_max3A_891, 128 : i32
        %dma_start3A_893 = arith.constant 0 : i32
        %dma_start3A_894 = tpu.memref_slice %arg3[%dma_start3A_893, %multiple_of3A_892] : memref<32x1000000xf32, #tpu.memory_space<hbm>> -> memref<32x128xf32, #tpu.memory_space<hbm>>
        %dma_start3A_895 = arith.constant 0 : i32
        %dma_start3A_896 = tpu.memref_slice %arg3[%dma_start3A_895, %multiple_of3A_892] : memref<32x1000000xf32, #tpu.memory_space<hbm>> -> memref<32x128xf32, #tpu.memory_space<hbm>>
        tpu.enqueue_dma source(%dma_start3A_896 : memref<32x128xf32, #tpu.memory_space<hbm>>) target(%arg11 : memref<32x128xf32, #tpu.memory_space<vmem>>) target_semaphore(%arg28 : memref<!tpu.dma_semaphore, #tpu.memory_space<semaphore_mem>>)
        %eq3A_897 = arith.constant 6 : i32
        %eq3A_898 = vector.broadcast %eq3A_897 : i32 to vector<16xi32>
        %eq3A_899 = arith.cmpi eq, %iota3A_6, %eq3A_898 : vector<16xi32>
        %jit3A_900 = arith.constant 0 : i32
        %broadcast_in_dim3A_901 = vector.broadcast %jit3A_900 : i32 to vector<16xi32>
        %select_n3A_902 = arith.select %eq3A_899, %shift_left3A_782, %broadcast_in_dim3A_901 : vector<16xi1>, vector<16xi32>
        %reduce_max3A_903 = arith.constant true
        %reduce_max3A_904 = vector.broadcast %reduce_max3A_903 : i1 to vector<16xi1>
        %reduce_max3A_905 = arith.constant -2147483648 : i32
        %reduce_max3A_906 = vector.broadcast %reduce_max3A_905 : i32 to vector<16xi32>
        %reduce_max3A_907 = arith.xori %select_n3A_902, %reduce_max3A_906 : vector<16xi32>
        %reduce_max3A_908 = tpu.scan <max>, %reduce_max3A_907 masked %reduce_max3A_904 : vector<16xi32>, vector<16xi1> -> vector<16xi32>
        %reduce_max3A_909 = arith.xori %reduce_max3A_908, %reduce_max3A_906 : vector<16xi32>
        %reduce_max3A_910 = vector.extract %reduce_max3A_909[15] : i32 from vector<16xi32>
        %multiple_of3A_911 = tpu.assume_multiple %reduce_max3A_910, 128 : i32
        %dma_start3A_912 = arith.constant 0 : i32
        %dma_start3A_913 = tpu.memref_slice %arg3[%dma_start3A_912, %multiple_of3A_911] : memref<32x1000000xf32, #tpu.memory_space<hbm>> -> memref<32x128xf32, #tpu.memory_space<hbm>>
        %dma_start3A_914 = arith.constant 0 : i32
        %dma_start3A_915 = tpu.memref_slice %arg3[%dma_start3A_914, %multiple_of3A_911] : memref<32x1000000xf32, #tpu.memory_space<hbm>> -> memref<32x128xf32, #tpu.memory_space<hbm>>
        tpu.enqueue_dma source(%dma_start3A_915 : memref<32x128xf32, #tpu.memory_space<hbm>>) target(%arg12 : memref<32x128xf32, #tpu.memory_space<vmem>>) target_semaphore(%arg29 : memref<!tpu.dma_semaphore, #tpu.memory_space<semaphore_mem>>)
        %eq3A_916 = arith.constant 7 : i32
        %eq3A_917 = vector.broadcast %eq3A_916 : i32 to vector<16xi32>
        %eq3A_918 = arith.cmpi eq, %iota3A_6, %eq3A_917 : vector<16xi32>
        %jit3A_919 = arith.constant 0 : i32
        %broadcast_in_dim3A_920 = vector.broadcast %jit3A_919 : i32 to vector<16xi32>
        %select_n3A_921 = arith.select %eq3A_918, %shift_left3A_782, %broadcast_in_dim3A_920 : vector<16xi1>, vector<16xi32>
        %reduce_max3A_922 = arith.constant true
        %reduce_max3A_923 = vector.broadcast %reduce_max3A_922 : i1 to vector<16xi1>
        %reduce_max3A_924 = arith.constant -2147483648 : i32
        %reduce_max3A_925 = vector.broadcast %reduce_max3A_924 : i32 to vector<16xi32>
        %reduce_max3A_926 = arith.xori %select_n3A_921, %reduce_max3A_925 : vector<16xi32>
        %reduce_max3A_927 = tpu.scan <max>, %reduce_max3A_926 masked %reduce_max3A_923 : vector<16xi32>, vector<16xi1> -> vector<16xi32>
        %reduce_max3A_928 = arith.xori %reduce_max3A_927, %reduce_max3A_925 : vector<16xi32>
        %reduce_max3A_929 = vector.extract %reduce_max3A_928[15] : i32 from vector<16xi32>
        %multiple_of3A_930 = tpu.assume_multiple %reduce_max3A_929, 128 : i32
        %dma_start3A_931 = arith.constant 0 : i32
        %dma_start3A_932 = tpu.memref_slice %arg3[%dma_start3A_931, %multiple_of3A_930] : memref<32x1000000xf32, #tpu.memory_space<hbm>> -> memref<32x128xf32, #tpu.memory_space<hbm>>
        %dma_start3A_933 = arith.constant 0 : i32
        %dma_start3A_934 = tpu.memref_slice %arg3[%dma_start3A_933, %multiple_of3A_930] : memref<32x1000000xf32, #tpu.memory_space<hbm>> -> memref<32x128xf32, #tpu.memory_space<hbm>>
        tpu.enqueue_dma source(%dma_start3A_934 : memref<32x128xf32, #tpu.memory_space<hbm>>) target(%arg13 : memref<32x128xf32, #tpu.memory_space<vmem>>) target_semaphore(%arg30 : memref<!tpu.dma_semaphore, #tpu.memory_space<semaphore_mem>>)
        %eq3A_935 = arith.constant 8 : i32
        %eq3A_936 = vector.broadcast %eq3A_935 : i32 to vector<16xi32>
        %eq3A_937 = arith.cmpi eq, %iota3A_6, %eq3A_936 : vector<16xi32>
        %jit3A_938 = arith.constant 0 : i32
        %broadcast_in_dim3A_939 = vector.broadcast %jit3A_938 : i32 to vector<16xi32>
        %select_n3A_940 = arith.select %eq3A_937, %shift_left3A_782, %broadcast_in_dim3A_939 : vector<16xi1>, vector<16xi32>
        %reduce_max3A_941 = arith.constant true
        %reduce_max3A_942 = vector.broadcast %reduce_max3A_941 : i1 to vector<16xi1>
        %reduce_max3A_943 = arith.constant -2147483648 : i32
        %reduce_max3A_944 = vector.broadcast %reduce_max3A_943 : i32 to vector<16xi32>
        %reduce_max3A_945 = arith.xori %select_n3A_940, %reduce_max3A_944 : vector<16xi32>
        %reduce_max3A_946 = tpu.scan <max>, %reduce_max3A_945 masked %reduce_max3A_942 : vector<16xi32>, vector<16xi1> -> vector<16xi32>
        %reduce_max3A_947 = arith.xori %reduce_max3A_946, %reduce_max3A_944 : vector<16xi32>
        %reduce_max3A_948 = vector.extract %reduce_max3A_947[15] : i32 from vector<16xi32>
        %multiple_of3A_949 = tpu.assume_multiple %reduce_max3A_948, 128 : i32
        %dma_start3A_950 = arith.constant 0 : i32
        %dma_start3A_951 = tpu.memref_slice %arg3[%dma_start3A_950, %multiple_of3A_949] : memref<32x1000000xf32, #tpu.memory_space<hbm>> -> memref<32x128xf32, #tpu.memory_space<hbm>>
        %dma_start3A_952 = arith.constant 0 : i32
        %dma_start3A_953 = tpu.memref_slice %arg3[%dma_start3A_952, %multiple_of3A_949] : memref<32x1000000xf32, #tpu.memory_space<hbm>> -> memref<32x128xf32, #tpu.memory_space<hbm>>
        tpu.enqueue_dma source(%dma_start3A_953 : memref<32x128xf32, #tpu.memory_space<hbm>>) target(%arg14 : memref<32x128xf32, #tpu.memory_space<vmem>>) target_semaphore(%arg31 : memref<!tpu.dma_semaphore, #tpu.memory_space<semaphore_mem>>)
        %eq3A_954 = arith.constant 9 : i32
        %eq3A_955 = vector.broadcast %eq3A_954 : i32 to vector<16xi32>
        %eq3A_956 = arith.cmpi eq, %iota3A_6, %eq3A_955 : vector<16xi32>
        %jit3A_957 = arith.constant 0 : i32
        %broadcast_in_dim3A_958 = vector.broadcast %jit3A_957 : i32 to vector<16xi32>
        %select_n3A_959 = arith.select %eq3A_956, %shift_left3A_782, %broadcast_in_dim3A_958 : vector<16xi1>, vector<16xi32>
        %reduce_max3A_960 = arith.constant true
        %reduce_max3A_961 = vector.broadcast %reduce_max3A_960 : i1 to vector<16xi1>
        %reduce_max3A_962 = arith.constant -2147483648 : i32
        %reduce_max3A_963 = vector.broadcast %reduce_max3A_962 : i32 to vector<16xi32>
        %reduce_max3A_964 = arith.xori %select_n3A_959, %reduce_max3A_963 : vector<16xi32>
        %reduce_max3A_965 = tpu.scan <max>, %reduce_max3A_964 masked %reduce_max3A_961 : vector<16xi32>, vector<16xi1> -> vector<16xi32>
        %reduce_max3A_966 = arith.xori %reduce_max3A_965, %reduce_max3A_963 : vector<16xi32>
        %reduce_max3A_967 = vector.extract %reduce_max3A_966[15] : i32 from vector<16xi32>
        %multiple_of3A_968 = tpu.assume_multiple %reduce_max3A_967, 128 : i32
        %dma_start3A_969 = arith.constant 0 : i32
        %dma_start3A_970 = tpu.memref_slice %arg3[%dma_start3A_969, %multiple_of3A_968] : memref<32x1000000xf32, #tpu.memory_space<hbm>> -> memref<32x128xf32, #tpu.memory_space<hbm>>
        %dma_start3A_971 = arith.constant 0 : i32
        %dma_start3A_972 = tpu.memref_slice %arg3[%dma_start3A_971, %multiple_of3A_968] : memref<32x1000000xf32, #tpu.memory_space<hbm>> -> memref<32x128xf32, #tpu.memory_space<hbm>>
        tpu.enqueue_dma source(%dma_start3A_972 : memref<32x128xf32, #tpu.memory_space<hbm>>) target(%arg15 : memref<32x128xf32, #tpu.memory_space<vmem>>) target_semaphore(%arg32 : memref<!tpu.dma_semaphore, #tpu.memory_space<semaphore_mem>>)
        %eq3A_973 = arith.constant 10 : i32
        %eq3A_974 = vector.broadcast %eq3A_973 : i32 to vector<16xi32>
        %eq3A_975 = arith.cmpi eq, %iota3A_6, %eq3A_974 : vector<16xi32>
        %jit3A_976 = arith.constant 0 : i32
        %broadcast_in_dim3A_977 = vector.broadcast %jit3A_976 : i32 to vector<16xi32>
        %select_n3A_978 = arith.select %eq3A_975, %shift_left3A_782, %broadcast_in_dim3A_977 : vector<16xi1>, vector<16xi32>
        %reduce_max3A_979 = arith.constant true
        %reduce_max3A_980 = vector.broadcast %reduce_max3A_979 : i1 to vector<16xi1>
        %reduce_max3A_981 = arith.constant -2147483648 : i32
        %reduce_max3A_982 = vector.broadcast %reduce_max3A_981 : i32 to vector<16xi32>
        %reduce_max3A_983 = arith.xori %select_n3A_978, %reduce_max3A_982 : vector<16xi32>
        %reduce_max3A_984 = tpu.scan <max>, %reduce_max3A_983 masked %reduce_max3A_980 : vector<16xi32>, vector<16xi1> -> vector<16xi32>
        %reduce_max3A_985 = arith.xori %reduce_max3A_984, %reduce_max3A_982 : vector<16xi32>
        %reduce_max3A_986 = vector.extract %reduce_max3A_985[15] : i32 from vector<16xi32>
        %multiple_of3A_987 = tpu.assume_multiple %reduce_max3A_986, 128 : i32
        %dma_start3A_988 = arith.constant 0 : i32
        %dma_start3A_989 = tpu.memref_slice %arg3[%dma_start3A_988, %multiple_of3A_987] : memref<32x1000000xf32, #tpu.memory_space<hbm>> -> memref<32x128xf32, #tpu.memory_space<hbm>>
        %dma_start3A_990 = arith.constant 0 : i32
        %dma_start3A_991 = tpu.memref_slice %arg3[%dma_start3A_990, %multiple_of3A_987] : memref<32x1000000xf32, #tpu.memory_space<hbm>> -> memref<32x128xf32, #tpu.memory_space<hbm>>
        tpu.enqueue_dma source(%dma_start3A_991 : memref<32x128xf32, #tpu.memory_space<hbm>>) target(%arg16 : memref<32x128xf32, #tpu.memory_space<vmem>>) target_semaphore(%arg33 : memref<!tpu.dma_semaphore, #tpu.memory_space<semaphore_mem>>)
        %eq3A_992 = arith.constant 11 : i32
        %eq3A_993 = vector.broadcast %eq3A_992 : i32 to vector<16xi32>
        %eq3A_994 = arith.cmpi eq, %iota3A_6, %eq3A_993 : vector<16xi32>
        %jit3A_995 = arith.constant 0 : i32
        %broadcast_in_dim3A_996 = vector.broadcast %jit3A_995 : i32 to vector<16xi32>
        %select_n3A_997 = arith.select %eq3A_994, %shift_left3A_782, %broadcast_in_dim3A_996 : vector<16xi1>, vector<16xi32>
        %reduce_max3A_998 = arith.constant true
        %reduce_max3A_999 = vector.broadcast %reduce_max3A_998 : i1 to vector<16xi1>
        %reduce_max3A_1000 = arith.constant -2147483648 : i32
        %reduce_max3A_1001 = vector.broadcast %reduce_max3A_1000 : i32 to vector<16xi32>
        %reduce_max3A_1002 = arith.xori %select_n3A_997, %reduce_max3A_1001 : vector<16xi32>
        %reduce_max3A_1003 = tpu.scan <max>, %reduce_max3A_1002 masked %reduce_max3A_999 : vector<16xi32>, vector<16xi1> -> vector<16xi32>
        %reduce_max3A_1004 = arith.xori %reduce_max3A_1003, %reduce_max3A_1001 : vector<16xi32>
        %reduce_max3A_1005 = vector.extract %reduce_max3A_1004[15] : i32 from vector<16xi32>
        %multiple_of3A_1006 = tpu.assume_multiple %reduce_max3A_1005, 128 : i32
        %dma_start3A_1007 = arith.constant 0 : i32
        %dma_start3A_1008 = tpu.memref_slice %arg3[%dma_start3A_1007, %multiple_of3A_1006] : memref<32x1000000xf32, #tpu.memory_space<hbm>> -> memref<32x128xf32, #tpu.memory_space<hbm>>
        %dma_start3A_1009 = arith.constant 0 : i32
        %dma_start3A_1010 = tpu.memref_slice %arg3[%dma_start3A_1009, %multiple_of3A_1006] : memref<32x1000000xf32, #tpu.memory_space<hbm>> -> memref<32x128xf32, #tpu.memory_space<hbm>>
        tpu.enqueue_dma source(%dma_start3A_1010 : memref<32x128xf32, #tpu.memory_space<hbm>>) target(%arg17 : memref<32x128xf32, #tpu.memory_space<vmem>>) target_semaphore(%arg34 : memref<!tpu.dma_semaphore, #tpu.memory_space<semaphore_mem>>)
        %eq3A_1011 = arith.constant 12 : i32
        %eq3A_1012 = vector.broadcast %eq3A_1011 : i32 to vector<16xi32>
        %eq3A_1013 = arith.cmpi eq, %iota3A_6, %eq3A_1012 : vector<16xi32>
        %jit3A_1014 = arith.constant 0 : i32
        %broadcast_in_dim3A_1015 = vector.broadcast %jit3A_1014 : i32 to vector<16xi32>
        %select_n3A_1016 = arith.select %eq3A_1013, %shift_left3A_782, %broadcast_in_dim3A_1015 : vector<16xi1>, vector<16xi32>
        %reduce_max3A_1017 = arith.constant true
        %reduce_max3A_1018 = vector.broadcast %reduce_max3A_1017 : i1 to vector<16xi1>
        %reduce_max3A_1019 = arith.constant -2147483648 : i32
        %reduce_max3A_1020 = vector.broadcast %reduce_max3A_1019 : i32 to vector<16xi32>
        %reduce_max3A_1021 = arith.xori %select_n3A_1016, %reduce_max3A_1020 : vector<16xi32>
        %reduce_max3A_1022 = tpu.scan <max>, %reduce_max3A_1021 masked %reduce_max3A_1018 : vector<16xi32>, vector<16xi1> -> vector<16xi32>
        %reduce_max3A_1023 = arith.xori %reduce_max3A_1022, %reduce_max3A_1020 : vector<16xi32>
        %reduce_max3A_1024 = vector.extract %reduce_max3A_1023[15] : i32 from vector<16xi32>
        %multiple_of3A_1025 = tpu.assume_multiple %reduce_max3A_1024, 128 : i32
        %dma_start3A_1026 = arith.constant 0 : i32
        %dma_start3A_1027 = tpu.memref_slice %arg3[%dma_start3A_1026, %multiple_of3A_1025] : memref<32x1000000xf32, #tpu.memory_space<hbm>> -> memref<32x128xf32, #tpu.memory_space<hbm>>
        %dma_start3A_1028 = arith.constant 0 : i32
        %dma_start3A_1029 = tpu.memref_slice %arg3[%dma_start3A_1028, %multiple_of3A_1025] : memref<32x1000000xf32, #tpu.memory_space<hbm>> -> memref<32x128xf32, #tpu.memory_space<hbm>>
        tpu.enqueue_dma source(%dma_start3A_1029 : memref<32x128xf32, #tpu.memory_space<hbm>>) target(%arg18 : memref<32x128xf32, #tpu.memory_space<vmem>>) target_semaphore(%arg35 : memref<!tpu.dma_semaphore, #tpu.memory_space<semaphore_mem>>)
        %eq3A_1030 = arith.constant 13 : i32
        %eq3A_1031 = vector.broadcast %eq3A_1030 : i32 to vector<16xi32>
        %eq3A_1032 = arith.cmpi eq, %iota3A_6, %eq3A_1031 : vector<16xi32>
        %jit3A_1033 = arith.constant 0 : i32
        %broadcast_in_dim3A_1034 = vector.broadcast %jit3A_1033 : i32 to vector<16xi32>
        %select_n3A_1035 = arith.select %eq3A_1032, %shift_left3A_782, %broadcast_in_dim3A_1034 : vector<16xi1>, vector<16xi32>
        %reduce_max3A_1036 = arith.constant true
        %reduce_max3A_1037 = vector.broadcast %reduce_max3A_1036 : i1 to vector<16xi1>
        %reduce_max3A_1038 = arith.constant -2147483648 : i32
        %reduce_max3A_1039 = vector.broadcast %reduce_max3A_1038 : i32 to vector<16xi32>
        %reduce_max3A_1040 = arith.xori %select_n3A_1035, %reduce_max3A_1039 : vector<16xi32>
        %reduce_max3A_1041 = tpu.scan <max>, %reduce_max3A_1040 masked %reduce_max3A_1037 : vector<16xi32>, vector<16xi1> -> vector<16xi32>
        %reduce_max3A_1042 = arith.xori %reduce_max3A_1041, %reduce_max3A_1039 : vector<16xi32>
        %reduce_max3A_1043 = vector.extract %reduce_max3A_1042[15] : i32 from vector<16xi32>
        %multiple_of3A_1044 = tpu.assume_multiple %reduce_max3A_1043, 128 : i32
        %dma_start3A_1045 = arith.constant 0 : i32
        %dma_start3A_1046 = tpu.memref_slice %arg3[%dma_start3A_1045, %multiple_of3A_1044] : memref<32x1000000xf32, #tpu.memory_space<hbm>> -> memref<32x128xf32, #tpu.memory_space<hbm>>
        %dma_start3A_1047 = arith.constant 0 : i32
        %dma_start3A_1048 = tpu.memref_slice %arg3[%dma_start3A_1047, %multiple_of3A_1044] : memref<32x1000000xf32, #tpu.memory_space<hbm>> -> memref<32x128xf32, #tpu.memory_space<hbm>>
        tpu.enqueue_dma source(%dma_start3A_1048 : memref<32x128xf32, #tpu.memory_space<hbm>>) target(%arg19 : memref<32x128xf32, #tpu.memory_space<vmem>>) target_semaphore(%arg36 : memref<!tpu.dma_semaphore, #tpu.memory_space<semaphore_mem>>)
        %eq3A_1049 = arith.constant 14 : i32
        %eq3A_1050 = vector.broadcast %eq3A_1049 : i32 to vector<16xi32>
        %eq3A_1051 = arith.cmpi eq, %iota3A_6, %eq3A_1050 : vector<16xi32>
        %jit3A_1052 = arith.constant 0 : i32
        %broadcast_in_dim3A_1053 = vector.broadcast %jit3A_1052 : i32 to vector<16xi32>
        %select_n3A_1054 = arith.select %eq3A_1051, %shift_left3A_782, %broadcast_in_dim3A_1053 : vector<16xi1>, vector<16xi32>
        %reduce_max3A_1055 = arith.constant true
        %reduce_max3A_1056 = vector.broadcast %reduce_max3A_1055 : i1 to vector<16xi1>
        %reduce_max3A_1057 = arith.constant -2147483648 : i32
        %reduce_max3A_1058 = vector.broadcast %reduce_max3A_1057 : i32 to vector<16xi32>
        %reduce_max3A_1059 = arith.xori %select_n3A_1054, %reduce_max3A_1058 : vector<16xi32>
        %reduce_max3A_1060 = tpu.scan <max>, %reduce_max3A_1059 masked %reduce_max3A_1056 : vector<16xi32>, vector<16xi1> -> vector<16xi32>
        %reduce_max3A_1061 = arith.xori %reduce_max3A_1060, %reduce_max3A_1058 : vector<16xi32>
        %reduce_max3A_1062 = vector.extract %reduce_max3A_1061[15] : i32 from vector<16xi32>
        %multiple_of3A_1063 = tpu.assume_multiple %reduce_max3A_1062, 128 : i32
        %dma_start3A_1064 = arith.constant 0 : i32
        %dma_start3A_1065 = tpu.memref_slice %arg3[%dma_start3A_1064, %multiple_of3A_1063] : memref<32x1000000xf32, #tpu.memory_space<hbm>> -> memref<32x128xf32, #tpu.memory_space<hbm>>
        %dma_start3A_1066 = arith.constant 0 : i32
        %dma_start3A_1067 = tpu.memref_slice %arg3[%dma_start3A_1066, %multiple_of3A_1063] : memref<32x1000000xf32, #tpu.memory_space<hbm>> -> memref<32x128xf32, #tpu.memory_space<hbm>>
        tpu.enqueue_dma source(%dma_start3A_1067 : memref<32x128xf32, #tpu.memory_space<hbm>>) target(%arg20 : memref<32x128xf32, #tpu.memory_space<vmem>>) target_semaphore(%arg37 : memref<!tpu.dma_semaphore, #tpu.memory_space<semaphore_mem>>)
        %eq3A_1068 = arith.constant 15 : i32
        %eq3A_1069 = vector.broadcast %eq3A_1068 : i32 to vector<16xi32>
        %eq3A_1070 = arith.cmpi eq, %iota3A_6, %eq3A_1069 : vector<16xi32>
        %jit3A_1071 = arith.constant 0 : i32
        %broadcast_in_dim3A_1072 = vector.broadcast %jit3A_1071 : i32 to vector<16xi32>
        %select_n3A_1073 = arith.select %eq3A_1070, %shift_left3A_782, %broadcast_in_dim3A_1072 : vector<16xi1>, vector<16xi32>
        %reduce_max3A_1074 = arith.constant true
        %reduce_max3A_1075 = vector.broadcast %reduce_max3A_1074 : i1 to vector<16xi1>
        %reduce_max3A_1076 = arith.constant -2147483648 : i32
        %reduce_max3A_1077 = vector.broadcast %reduce_max3A_1076 : i32 to vector<16xi32>
        %reduce_max3A_1078 = arith.xori %select_n3A_1073, %reduce_max3A_1077 : vector<16xi32>
        %reduce_max3A_1079 = tpu.scan <max>, %reduce_max3A_1078 masked %reduce_max3A_1075 : vector<16xi32>, vector<16xi1> -> vector<16xi32>
        %reduce_max3A_1080 = arith.xori %reduce_max3A_1079, %reduce_max3A_1077 : vector<16xi32>
        %reduce_max3A_1081 = vector.extract %reduce_max3A_1080[15] : i32 from vector<16xi32>
        %multiple_of3A_1082 = tpu.assume_multiple %reduce_max3A_1081, 128 : i32
        %dma_start3A_1083 = arith.constant 0 : i32
        %dma_start3A_1084 = tpu.memref_slice %arg3[%dma_start3A_1083, %multiple_of3A_1082] : memref<32x1000000xf32, #tpu.memory_space<hbm>> -> memref<32x128xf32, #tpu.memory_space<hbm>>
        %dma_start3A_1085 = arith.constant 0 : i32
        %dma_start3A_1086 = tpu.memref_slice %arg3[%dma_start3A_1085, %multiple_of3A_1082] : memref<32x1000000xf32, #tpu.memory_space<hbm>> -> memref<32x128xf32, #tpu.memory_space<hbm>>
        tpu.enqueue_dma source(%dma_start3A_1086 : memref<32x128xf32, #tpu.memory_space<hbm>>) target(%arg21 : memref<32x128xf32, #tpu.memory_space<vmem>>) target_semaphore(%arg38 : memref<!tpu.dma_semaphore, #tpu.memory_space<semaphore_mem>>)
      } else {
      }
    }
    %scan3A_313 = arith.constant 32 : i32
    "tpu.region"() ({
      %run_scoped3A = tpu.sem_alloc : memref<!tpu.dma_semaphore, #tpu.memory_space<semaphore_mem>>
      %dma_start3A_314 = arith.constant 0 : i32
      %dma_start3A_315 = tpu.memref_slice %arg4[%dma_start3A_314, %mul3A_2] : memref<32x16384xf32, #tpu.memory_space<hbm>> -> memref<32x512xf32, #tpu.memory_space<hbm>>
      %dma_start3A_316 = arith.constant 0 : i32
      %dma_start3A_317 = tpu.memref_slice %arg4[%dma_start3A_316, %mul3A_2] : memref<32x16384xf32, #tpu.memory_space<hbm>> -> memref<32x512xf32, #tpu.memory_space<hbm>>
      tpu.enqueue_dma source(%arg22 : memref<32x512xf32, #tpu.memory_space<vmem>>) target(%dma_start3A_317 : memref<32x512xf32, #tpu.memory_space<hbm>>) target_semaphore(%run_scoped3A : memref<!tpu.dma_semaphore, #tpu.memory_space<semaphore_mem>>)
      %dma_wait3A = arith.constant 0 : i32
      %dma_wait3A_318 = tpu.memref_slice %arg4[%dma_wait3A, %mul3A_2] : memref<32x16384xf32, #tpu.memory_space<hbm>> -> memref<32x512xf32, #tpu.memory_space<hbm>>
      %dma_wait3A_319 = arith.constant 0 : i32
      %dma_wait3A_320 = tpu.memref_slice %arg4[%dma_wait3A_319, %mul3A_2] : memref<32x16384xf32, #tpu.memory_space<hbm>> -> memref<32x512xf32, #tpu.memory_space<hbm>>
      tpu.wait_dma2 semaphore(%run_scoped3A : memref<!tpu.dma_semaphore, #tpu.memory_space<semaphore_mem>>) src(%arg22 : memref<32x512xf32, #tpu.memory_space<vmem>>) dst(%dma_wait3A_320 : memref<32x512xf32, #tpu.memory_space<hbm>>)
      tpu.yield
    }) : () -> ()
    return
  }
}

</mosaic_0001>

<sc_bundles>
// kernel: kernel.3.cloned.1.call-start
scs
__scs_entry_jumppad:
0x0: {  	(pc) =	sbr.rel $0x88, $3  }
0x1: {  	(tag) =	ssettag $0x0;
	lr =	simm.s32 $0x1  }
0x2: {  	[smem:$0x3F9F] =	sst lr;
	_ =	strace $0xD0000000  }
0x3: {  	_ = 	snop  }
0x4: {  	_ = 	snop  }
0x5: {  	_ = 	snop  }
0x6: {  	_ = 	snop  }
0x7: {  	_ = 	snop  }
__scs_overlays_trampoline_lowered:
0x8: {  	[smem:$0x3FAE] =	sst s0  }
0x9: {  	[smem:$0x3FAF] =	sst s1  }
0xa: {  	[smem:$0x3FB0] =	sst s2  }
0xb: {  	[smem:$0x3FB1] =	sst s3  }
0xc: {  	[smem:$0x3FB2] =	sst s4  }
0xd: {  	[smem:$0x3FB3] =	sst s5  }
0xe: {  	[smem:$0x3FB4] =	sst s6  }
0xf: {  	[smem:$0x3FB5] =	sst s7  }
0x10: {  	[smem:$0x3FB6] =	sst s8  }
0x11: {  	[smem:$0x3FB7] =	sst s9;
	s0 =	simm.s32 @!p0 $0x0  }
0x12: {  	s1 =	sld [smem:$0x3F9D];
	s0 =	simm.s32 @p0 $0x1  }
0x13: {  	[smem:$0x3FB8] =	sst s0;
	s0 =	simm.s32 @!p1 $0x0  }
0x14: {  	s2 =	sld [smem:$0x3F9C];
	s0 =	simm.s32 @p1 $0x1  }
0x15: {  	[smem:$0x3FB9] =	sst s0;
	s0 =	simm.s32 @!p2 $0x0  }
0x16: {  	s3 =	sld [smem:$0x3FDB];
	s0 =	simm.s32 @p2 $0x1  }
0x17: {  	s4 =	simm.s32 $0x1BF5;
	[smem:$0x3FBB] =	sst s0  }
0x18: {  	s0 =	sld [smem:$0x3F9E];
	_ =	swait.ge [sflag:s4], $0x0  }
0x19: {  	s7 =	sld [smem:$0x3F9F]  }
0x1a: {  	s8 =	sadd.s32 $0xFFFFE003, lr  }
0x1b: {  	s9 =	sadd.s32 $0xFFFFFEF7, lr;
	s5 =	simm.s32 $0xFFFFFFFF;
	p2 =	slt.u32 s8, $0xFFFFF086  }
0x1c: {  	p1 =	slt.u32 s9, $0xF7A;
	s5 =	simm.s32 @!p2 $0x0  }
0x1d: {  	s5 =	simm.s32 @p1 $0x1;
	p0 =	seq.s32 s7, s2  }
0x1e: {  	s7 =	smul.u32 @!p0 $0xF7A, s2;
	p2 =	seq.s32 @!p0 s5, $0x0  }
0x1f: {  	s9 =	smul.u32 $0xF7A, s1;
	s8 =	simm.s32 @!p0 $0x1BF5;
	p2 =	por !p2, p0  }
0x20: {  	[sflag:s8] =	ssyncset.s32 @!p0 $0xFFFFF086;
	s6 =	sadd.s32 @!p0 s3, s7;
	s7 =	simm.s32 @!p0 $0x108  }
0x21: {  	s3 =	sadd.s32 s3, s9;
	s6 =	sadd.s32 @!p0 $0x88, s6;
	s7 =	simm.s32 @p2 $0x1082  }
0x22: {  	[simem:s7], [sflag:s8] =	dma.local @!p0 [hbm:s6], $0xF7A  }
0x23: {  	s9 =	sor.u32 $0xD0000000, s2;
	s6 =	simm.s32 $0x108;
	_ =	swait.ge @!p0 [sflag:s8], $0x0  }
0x24: {  	s3 =	sadd.s32 $0x88, s3;
	s6 =	simm.s32 @!p1 $0x1082;
	[sflag:s4] =	ssyncset.s32 $0xFFFFF086  }
0x25: {  	[simem:s6], [sflag:s4] =	dma.local [hbm:s3], $0xF7A  }
0x26: {  	[smem:$0x3F9F] =	sst s1;
	(tag) =	ssettag s2;
	_ =	strace s9  }
0x27: {  	s1 =	sld [smem:$0x3FAF]  }
0x28: {  	s2 =	sld [smem:$0x3FB0]  }
0x29: {  	s4 =	sld [smem:$0x3FB2]  }
0x2a: {  	p0 =	seq.s32 s5, $0x0;
	s5 =	sld [smem:$0x3FB3]  }
0x2b: {  	s6 =	sld [smem:$0x3FB4]  }
0x2c: {  	s7 =	sld [smem:$0x3FB5]  }
0x2d: {  	s3 =	simm.s32 $0x108;
	s8 =	sld [smem:$0x3FB6]  }
0x2e: {  	s3 =	simm.s32 @!p0 $0x1082;
	s9 =	sld [smem:$0x3FB7]  }
0x2f: {  	lr =	sadd.s32 s0, s3;
	s0 =	sld [smem:$0x3FAE]  }
0x30: {  	s3 =	sld [smem:$0x3FB1]  }
0x31: {  	[smem:$0x3FBA] =	sst s10  }
0x32: {  	s10 =	sld [smem:$0x3FB8];
	_ =	sdelay $0x3  }
0x33: {  	p0 =	seq.s32 s10, $0x1;
	s10 =	sld [smem:$0x3FBA];
	_ =	sdelay $0x3  }
0x34: {  	[smem:$0x3FBA] =	sst s10  }
0x35: {  	s10 =	sld [smem:$0x3FB9];
	_ =	sdelay $0x3  }
0x36: {  	p1 =	seq.s32 s10, $0x1;
	s10 =	sld [smem:$0x3FBA];
	_ =	sdelay $0x3  }
0x37: {  	[smem:$0x3FBA] =	sst s10  }
0x38: {  	s10 =	sld [smem:$0x3FBB]  }
0x39: {  	_ = 	snop;
	(pc) =	sbr.ind lr, $3  }
0x3a: {  	_ = 	snop  }
0x3b: {  	_ = 	snop  }
0x3c: {  	p2 =	seq.s32 s10, $0x1;
	s10 =	sld [smem:$0x3FBA]  }
0x3d: {  	_ =	shalt  }
0x3e: {  	_ =	shalt  }
0x3f: {  	_ =	shalt  }
0x40: {  	_ =	shalt  }
0x41: {  	_ =	shalt  }
0x42: {  	_ =	shalt  }
0x43: {  	_ =	shalt  }
0x44: {  	_ =	shalt  }
0x45: {  	_ =	shalt  }
0x46: {  	_ =	shalt  }
0x47: {  	_ =	shalt  }
0x48: {  	_ =	shalt  }
0x49: {  	_ =	shalt  }
0x4a: {  	_ =	shalt  }
0x4b: {  	_ =	shalt  }
0x4c: {  	_ =	shalt  }
0x4d: {  	_ =	shalt  }
0x4e: {  	_ =	shalt  }
0x4f: {  	_ =	shalt  }
0x50: {  	_ =	shalt  }
0x51: {  	_ =	shalt  }
0x52: {  	_ =	shalt  }
0x53: {  	_ =	shalt  }
0x54: {  	_ =	shalt  }
0x55: {  	_ =	shalt  }
0x56: {  	_ =	shalt  }
0x57: {  	_ =	shalt  }
0x58: {  	_ =	shalt  }
0x59: {  	_ =	shalt  }
0x5a: {  	_ =	shalt  }
0x5b: {  	_ =	shalt  }
0x5c: {  	_ =	shalt  }
0x5d: {  	_ =	shalt  }
0x5e: {  	_ =	shalt  }
0x5f: {  	_ =	shalt  }
0x60: {  	_ =	shalt  }
0x61: {  	_ =	shalt  }
0x62: {  	_ =	shalt  }
0x63: {  	_ =	shalt  }
0x64: {  	_ =	shalt  }
0x65: {  	_ =	shalt  }
0x66: {  	_ =	shalt  }
0x67: {  	_ =	shalt  }
0x68: {  	_ =	shalt  }
0x69: {  	_ =	shalt  }
0x6a: {  	_ =	shalt  }
0x6b: {  	_ =	shalt  }
0x6c: {  	_ =	shalt  }
0x6d: {  	_ =	shalt  }
0x6e: {  	_ =	shalt  }
0x6f: {  	_ =	shalt  }
0x70: {  	_ =	shalt  }
0x71: {  	_ =	shalt  }
0x72: {  	_ =	shalt  }
0x73: {  	_ =	shalt  }
0x74: {  	_ =	shalt  }
0x75: {  	_ =	shalt  }
0x76: {  	_ =	shalt  }
0x77: {  	_ =	shalt  }
0x78: {  	_ =	shalt  }
0x79: {  	_ =	shalt  }
0x7a: {  	_ =	shalt  }
0x7b: {  	_ =	shalt  }
0x7c: {  	_ =	shalt  }
0x7d: {  	_ =	shalt  }
0x7e: {  	_ =	shalt  }
0x7f: {  	_ =	shalt  }
0x80: {  	_ =	shalt  }
0x81: {  	_ =	shalt  }
0x82: {  	_ =	shalt  }
0x83: {  	_ =	shalt  }
0x84: {  	_ =	shalt  }
0x85: {  	_ =	shalt  }
0x86: {  	_ =	shalt  }
0x87: {  	_ =	shalt  }
.Lfunc_end0:
.L_simem_size_0:
called_computation_lowered:
.L_overlay_start_0:
0x88: {  	s2 =	sld [smem:$0x3FD9]  }
0x89: {  	s3 =	sld [smem:$0x3FFE];
	_ =	sdelay $0x1  }
0x8a: {  	s1 =	srdreg.scid  }
0x8b: {  	s0 =	sand.u32 $0x1, s1  }
0x8c: {  	s18 =	sshll.u32 s0, $0xA;
	s2 =	sadd.s32 s3, s2  }
0x8d: {  	s2 =	sadd.s32 s2, s18  }
0x8e: {  	[smem:$0x3FC6] =	sst s2  }
0x8f: {  	_ = 	snop  }
0x90: {  	s2 =	sld [smem:$0x3FC9]  }
0x91: {  	s19 =	sld [smem:$0x3FC8]  }
0x92: {  	s4 =	sld [smem:$0x3FD0];
	(tm) =	ssettm $0x1  }
0x93: {  	s5 =	sld [smem:$0x3FFB];
	_ =	sdelay $0x3  }
0x94: {  	_ =	strace s5  }
0x95: {  	s5 =	sld [smem:$0x3FFC];
	_ =	sdelay $0x3  }
0x96: {  	_ =	strace s5  }
0x97: {  	s5 =	sld [smem:$0x3FFD];
	_ =	sdelay $0x3  }
0x98: {  	_ =	strace s5  }
0x99: {  	_ =	strace $0x8FFFFFFF  }
0x9a: {  	s20 =	sld [smem:$0x3FDB];
	_ =	sdelay $0x1  }
0x9b: {  	s6 =	simm.s32 $_scs_section_size  }
0x9c: {  	s7 =	simm.s32 $_size__tile_overlayer_lowered;
	s8 =	simm.s32 $_tile_overlayer_lowered  }
0x9d: {  	s23 =	simm.s32 $0x1BFF;
	s22 =	sshll.u32 s8, $0x1;
	s5 =	sadd.s32 s6, s20  }
0x9e: {  	s9 =	simm.s32 $0x0;
	s21 =	sshll.u32 s7, $0x1;
	s7 =	sadd.s32 s22, s5  }
0x9f: {  	[timem:s9], [sflag:s23] =	dma.local [hbm:s7], s21  }
0xa0: {  	_ =	swait.ge [sflag:s23], s21  }
0xa1: {  	s6 =	ssub.s32 $0x0, s21;
	[sflag:s23] =	ssyncset.done $0x0  }
0xa2: {  	[sflag:s23] =	ssyncadd.s32 s6;
	_ =	sdelay $0x1  }
0xa3: {  	s24 =	simm.s32 $0x1B8B  }
0xa4: {  	_ =	swait.ge [sflag:s24], $0x1  }
0xa5: {  	[sflag:s24] =	ssyncset.done $0x0  }
0xa6: {  	s25 =	simm.s32 $0x1B8E;
	[sflag:s24] =	ssyncadd.s32 $0xFFFFFFFF  }
0xa7: {  	s26 =	simm.s32 $execute0_lowered;
	[smem:$0x3FD2] =	sst s25  }
0xa8: {  	s6 =	sshll.u32 s26, $0x1;
	_ =	strace $0x80000046;
	[dreg:$0x1] =	wrdreg $0xFFFFFFFF  }
0xa9: {  	s28 =	simm.s32 $_size_execute0_lowered;
	s5 =	sadd.s32 s5, s6;
	[dreg:$0x0] =	wrdreg $0x0  }
0xaa: {  	s6 =	sshll.u32 s28, $0x1;
	[dreg:$0x2] =	wrdreg s5  }
0xab: {  	[dreg:$0x3] =	wrdreg s6  }
0xac: {  	[dreg:$0x4] =	wrdreg $0xC0  }
0xad: {  	_ =	task [dreg:s9], $0x5FFFF  }
0xae: {  	[dreg:$0x1] =	wrdreg $0xFFFFFFFF  }
0xaf: {  	[dreg:$0x0] =	wrdreg $0x60  }
0xb0: {  	[dreg:$0x2] =	wrdreg s2  }
0xb1: {  	[dreg:$0x3] =	wrdreg s19  }
0xb2: {  	[dreg:$0x4] =	wrdreg s4  }
0xb3: {  	[dreg:$0x5] =	wrdreg $0x9  }
0xb4: {  	_ =	task.clear_ibuf [dreg:s9], $0x6FFFF;
	_ =	strace $0x90000046  }
0xb5: {  	s29 =	simm.s32 $0x9;
	_ =	strace $0x80000048  }
0xb6: {  	_ =	swait.ge [sflag:s29], $0x1  }
0xb7: {  	[sflag:s29] =	ssyncadd.s32 $0xFFFFFFFF  }
0xb8: {  	_ =	strace $0x90000048  }
0xb9: {  	_ =	sfence  }
0xba: {  	s30 =	sld [smem:$0x0];
	_ =	sdelay $0x2  }
0xbb: {  	s31 =	sshll.u32 s1, $0xD;
	s1 =	sshrl.u32 s1, $0x2  }
0xbc: {  	s3 =	sand.u32 $0x4000, s31;
	s1 =	sadd.s32 s1, s30  }
0xbd: {  	s0 =	sor.u32 s3, s0;
	s1 =	sshll.u32 s1, $0x11  }
0xbe: {  	s0 =	sor.u32 s1, s0  }
0xbf: {  	s0 =	sadd.s32 $0x8F2B, s0  }
0xc0: {  	[sflag:s0] =	ssyncadd.remote.s32 $0x1  }
0xc1: {  	_ =	sfence.sel $0xFFFF  }
0xc2: {  	[dreg:$0x0] =	wrdreg $0xFFFFFFFF;
	(pc) =	sbr.abs _section_cstart, $3  }
0xc3: {  	[dreg:$0x1] =	wrdreg $0xFFFFFFFF  }
0xc4: {  	_ =	task.clear_ibuf [dreg:s9], $0x2FFFF;
	_ =	strace $0x9FFFFFFF  }
0xc5: {  	(tm) =	ssettm $0x7FFFFFFF  }
tec
execute0_lowered:
.L_overlay_start_1:
0x0: {  	(tag) =	ssettag $0x1  }
0x1: {  	vm0 =	vmmov $0x1;
	vm1 =	vcmask $0x308;
	vm2 =	vcmask $0x70C  }
0x2: {  	vm3 =	vcmask $0xB10;
	vm4 =	vcmask $0xF14;
	vm5 =	vcmask $0x1318  }
0x3: {  	vm6 =	vcmask $0x171C;
	vm7 =	vcmask $0x1B20;
	vm8 =	vcmask $0x1F24  }
0x4: {  	vm9 =	vcmask $0x2328;
	vm10 =	vcmask $0x272C;
	v0 =	vlaneseq.u32  }
0x5: {  	v1 =	vimm.s32 $0x1380;
	vm14 =	vcmask $0x300;
	vm15 =	vcmask $0x704  }
0x6: {  	s1 =	rddreg [dreg:$0x0];
	v2 =	vimm.s32 $0x3380;
	v4 =	vimm.s32 $0x0;
	v0 =	vmul.u32 $0x80, v0  }
0x7: {  	s0 =	rddreg [dreg:$0x1];
	v1 =	vsel vm14, $0x0, v1;
	v2 =	vsel vm14, $0x2000, v2;
	vm14 =	vcmask $0xB08  }
0x8: {  	s2 =	rddreg [dreg:$0x2];
	s3 =	srdreg.scid;
	s6 =	simm.s32 $0x0;
	v1 =	vsel vm15, $0x80, v1;
	v2 =	vsel vm15, $0x2080, v2;
	vm15 =	vcmask $0xF0C  }
0x9: {  	s5 =	stileid.u32;
	s15 =	simm.s32 $0x11;
	s17 =	simm.s32 $0x200;
	v1 =	vsel vm14, $0x100, v1;
	v2 =	vsel vm14, $0x2100, v2;
	vm14 =	vcmask $0x1310  }
0xa: {  	s18 =	simm.s32 $0x1200;
	s28 =	simm.s32 $0x10200;
	s29 =	simm.s32 $0x2;
	v1 =	vsel vm15, $0x180, v1;
	v2 =	vsel vm15, $0x2180, v2;
	vm15 =	vcmask $0x1714  }
0xb: {  	s30 =	simm.s32 $0x3;
	s31 =	simm.s32 $0x4;
	s7 =	simm.s32 $0xA;
	v1 =	vsel vm14, $0x200, v1;
	v2 =	vsel vm14, $0x2200, v2;
	vm14 =	vcmask $0x1B18  }
0xc: {  	s8 =	simm.s32 $0xC;
	s9 =	simm.s32 $0xD;
	s10 =	simm.s32 $0xE;
	v1 =	vsel vm15, $0x280, v1;
	v2 =	vsel vm15, $0x2280, v2;
	vm15 =	vcmask $0x1F1C  }
0xd: {  	s11 =	simm.s32 $0xF;
	s12 =	simm.s32 $0x10;
	s14 =	simm.s32 $0x0;
	v1 =	vsel vm14, $0x300, v1;
	v2 =	vsel vm14, $0x2300, v2;
	vm14 =	vcmask $0x2320  }
0xe: {  	s19 =	simm.s32 $0x9200;
	s20 =	simm.s32 $0xA200;
	s21 =	simm.s32 $0xB200;
	v1 =	vsel vm15, $0x380, v1;
	v2 =	vsel vm15, $0x2380, v2;
	vm15 =	vcmask $0x2724  }
0xf: {  	s22 =	simm.s32 $0xC200;
	s23 =	simm.s32 $0xD200;
	s3 =	sand.u32 $0x1, s3;
	v1 =	vsel vm14, $0x1000, v1;
	v2 =	vsel vm14, $0x3000, v2;
	vm14 =	vcmask $0x2B28  }
0x10: {  	s5 =	sshll.u32 s5, $0xA;
	[smem:$0x7FF] =	sst s6;
	s4 =	ssub.s32 $0x2, s3;
	v1 =	vsel vm15, $0x1080, v1;
	v2 =	vsel vm15, $0x3080, v2;
	vm15 =	vcmask $0x2F2C  }
0x11: {  	s6 =	simm.s32 $0xB;
	s3 =	sshll.u32 s3, $0x9;
	s24 =	sshrl.u32 s4, $0x1;
	v1 =	vsel vm14, $0x1100, v1;
	v2 =	vsel vm14, $0x3100, v2;
	vm14 =	vcmask $0x3330  }
0x12: {  	_ =	strace $0x80000047;
	s3 =	sor.u32 s3, s5;
	s4 =	ssub.s32 s4, s24;
	v1 =	vsel vm15, $0x1180, v1;
	v2 =	vsel vm15, $0x3180, v2;
	vm15 =	vcmask $0x3330  }
0x13: {  	s5 =	sshrl.u32 s3, $0x3;
	s25 =	sadd.s32 s2, s3;
	s2 =	simm.s32 $0x6;
	v1 =	vsel vm14, $0x1200, v1;
	vm14 =	vcmask $0x3734;
	v2 =	vsel vm15, $0x3200, v2  }
0x14: {  	s3 =	simm.s32 $0x7;
	s24 =	simm.s32 $0xE200;
	s1 =	sadd.s32 s1, s5;
	vm15 =	vcmask $0x3B38;
	v1 =	vsel vm14, $0x1280, v1;
	v2 =	vsel vm14, $0x3280, v2  }
0x15: {  	[dreg:$0x5] =	wrdreg s25;
	s26 =	smax.u32 s4, $0x1;
	s4 =	simm.s32 $0x8;
	v1 =	vsel vm15, $0x1300, v1;
	v2 =	vsel vm15, $0x3300, v2;
	vm15 =	vmmov $0x7fff  }
0x16: {  	vm11 =	vcmask $0x2B30;
	vm12 =	vcmask $0x2F34;
	s5 =	simm.s32 $0x9;
	s25 =	simm.s32 $0xF200;
	[dreg:$0x4] =	wrdreg s1;
	v4 =	vsel vm15, $0xFFFFFFFF, v4  }
0x17: {  	vm13 =	vcmask $0x3338;
	v3 =	vor.u32 $0x800, v0;
	[dreg:$0x6] =	wrdreg s26;
	s26 =	simm.s32 $0x1;
	s1 =	simm.s32 $0x5;
	vm14 =	vcmask $0x373C;
	[tilespmem:$0x1FFF0] =	vst v4  }
.LBB2_1:
0x18: {  	[dreg:$0x7] =	wrdreg s14  }
0x19: {  	s13 =	simm.s32 $0x0;
	s16 =	rddreg [dreg:$0x4]  }
0x1a: {  	[tilespmem:s13], [sflag:$0x11] =	stream.linear.gather [hbm4b:s16+s13], $0x200, $0x38;
	[tilespmem:$0x14200] =	vst v63  }
0x1b: {  	_ =	swait.ge [sflag:s15], $0x200  }
0x1c: {  	[sflag:s15] =	ssyncset.done $0x0  }
0x1d: {  	[sflag:s15] =	ssyncadd.s32 $0xFFFFFE00  }
0x1e: {  	v4 =	vld [tilespmem:$0x0];
	_ =	sdelay $0x4  }
0x1f: {  	v4 =	vand.u32 $0xFFFFFF80, v4  }
0x20: {  	v5 =	vnsel vm0, $0x0, v4  }
0x21: {  	v5 =	vxor.u32 $0x80000000, v5  }
0x22: {  	(xrf0) =	vmax.scan.msk.u32 $0xffff, v5;
	_ =	sdelay $0x1  }
0x23: {  	v5 =	vsel vm1, $0x0, v4  }
0x24: {  	v5 =	vxor.u32 $0x80000000, v5  }
0x25: {  	(xrf0) =	vmax.scan.msk.u32 $0xffff, v5;
	_ =	sdelay $0x1  }
0x26: {  	v6 =	vsel vm2, $0x0, v4;
	v5, _, _ =	vpop (xrf0)  }
0x27: {  	(v2sf) =	vpush v5, $0xF;
	v5 =	vxor.u32 $0x80000000, v6  }
0x28: {  	(xrf0) =	vmax.scan.msk.u32 $0xffff, v5;
	_ =	sdelay $0x1  }
0x29: {  	v55 =	vsel vm3, $0x0, v4;
	v5, _, _ =	vpop (xrf0)  }
0x2a: {  	(v2sf) =	vpush v5, $0xF;
	v5 =	vxor.u32 $0x80000000, v55  }
0x2b: {  	(xrf0) =	vmax.scan.msk.u32 $0xffff, v5;
	_ =	sdelay $0x1  }
0x2c: {  	v56 =	vsel vm4, $0x0, v4;
	v5, _, _ =	vpop (xrf0)  }
0x2d: {  	(v2sf) =	vpush v5, $0xF;
	v5 =	vxor.u32 $0x80000000, v56;
	_ =	sdelay $0x1  }
0x2e: {  	(xrf0) =	vmax.scan.msk.u32 $0xffff, v5  }
0x2f: {  	v5, _, _ =	vpop (xrf0)  }
0x30: {  	(v2sf) =	vpush v5, $0xF;
	v5 =	vsel vm5, $0x0, v4  }
0x31: {  	v5 =	vxor.u32 $0x80000000, v5;
	_ =	sdelay $0x1  }
0x32: {  	(xrf0) =	vmax.scan.msk.u32 $0xffff, v5  }
0x33: {  	s16 =	spop (v2sf);
	v5, _, _ =	vpop (xrf0)  }
0x34: {  	s13 =	sand.u32 $0x1FFFFF80, s16;
	(v2sf) =	vpush v5, $0xF;
	v5 =	vsel vm6, $0x0, v4  }
0x35: {  	s15 =	simm.s32 $0x400;
	s16 =	simm.s32 $0x7A1400;
	s13 =	sadd.s32 s0, s13;
	v5 =	vxor.u32 $0x80000000, v5  }
0x36: {  	[tilespmem:s17], [sflag:$0x1] =	stream.strided.gather [hbm4b:s13+s15], $0x1000, s16, s15, $0x38;
	[tilespmem:$0x14200] =	vst v63  }
0x37: {  	s14 =	spop (v2sf);
	(xrf0) =	vmax.scan.msk.u32 $0xffff, v5  }
0x38: {  	s13 =	sand.u32 $0x1FFFFF80, s14;
	v5, _, _ =	vpop (xrf0)  }
0x39: {  	s13 =	sadd.s32 s0, s13;
	(v2sf) =	vpush v5, $0xF;
	v5 =	vsel vm7, $0x0, v4  }
0x3a: {  	[tilespmem:s18], [sflag:$0x2] =	stream.strided.gather [hbm4b:s13+s15], $0x1000, s16, s15, $0x38;
	v5 =	vxor.u32 $0x80000000, v5;
	[tilespmem:$0x14200] =	vst v63  }
0x3b: {  	s14 =	spop (v2sf);
	(xrf0) =	vmax.scan.msk.u32 $0xffff, v5  }
0x3c: {  	s13 =	sand.u32 $0x1FFFFF80, s14  }
0x3d: {  	v57 =	vsel vm8, $0x0, v4;
	s14 =	simm.s32 $0x2200;
	s13 =	sadd.s32 s0, s13;
	v5, _, _ =	vpop (xrf0)  }
0x3e: {  	[tilespmem:s14], [sflag:$0x3] =	stream.strided.gather [hbm4b:s13+s15], $0x1000, s16, s15, $0x38;
	(v2sf) =	vpush v5, $0xF;
	v5 =	vxor.u32 $0x80000000, v57;
	[tilespmem:$0x14200] =	vst v63  }
0x3f: {  	s14 =	spop (v2sf);
	(xrf0) =	vmax.scan.msk.u32 $0xffff, v5  }
0x40: {  	s13 =	sand.u32 $0x1FFFFF80, s14  }
0x41: {  	v58 =	vsel vm9, $0x0, v4;
	s14 =	simm.s32 $0x3200;
	s13 =	sadd.s32 s0, s13;
	v5, _, _ =	vpop (xrf0)  }
0x42: {  	[tilespmem:s14], [sflag:$0x4] =	stream.strided.gather [hbm4b:s13+s15], $0x1000, s16, s15, $0x38;
	(v2sf) =	vpush v5, $0xF;
	v5 =	vxor.u32 $0x80000000, v58;
	[tilespmem:$0x14200] =	vst v63  }
0x43: {  	s14 =	spop (v2sf);
	(xrf0) =	vmax.scan.msk.u32 $0xffff, v5  }
0x44: {  	s13 =	sand.u32 $0x1FFFFF80, s14  }
0x45: {  	v59 =	vsel vm10, $0x0, v4;
	s14 =	simm.s32 $0x4200;
	s13 =	sadd.s32 s0, s13;
	v5, _, _ =	vpop (xrf0)  }
0x46: {  	[tilespmem:s14], [sflag:$0x5] =	stream.strided.gather [hbm4b:s13+s15], $0x1000, s16, s15, $0x38;
	(v2sf) =	vpush v5, $0xF;
	v5 =	vxor.u32 $0x80000000, v59;
	[tilespmem:$0x14200] =	vst v63  }
0x47: {  	(xrf0) =	vmax.scan.msk.u32 $0xffff, v5;
	v5 =	vsel vm11, $0x0, v4  }
0x48: {  	s14 =	spop (v2sf);
	v5 =	vxor.u32 $0x80000000, v5  }
0x49: {  	s13 =	sand.u32 $0x1FFFFF80, s14;
	v60, _, _ =	vpop (xrf0);
	(xrf0) =	vmax.scan.msk.u32 $0xffff, v5;
	v5 =	vsel vm12, $0x0, v4  }
0x4a: {  	s14 =	simm.s32 $0x5200;
	s13 =	sadd.s32 s0, s13;
	(v2sf) =	vpush v60, $0xF;
	v5 =	vxor.u32 $0x80000000, v5  }
0x4b: {  	[tilespmem:s14], [sflag:$0x6] =	stream.strided.gather [hbm4b:s13+s15], $0x1000, s16, s15, $0x38;
	[tilespmem:$0x14200] =	vst v63  }
0x4c: {  	(xrf0) =	vmax.scan.msk.u32 $0xffff, v5  }
0x4d: {  	v5, _, _ =	vpop (xrf0);
	s14 =	spop (v2sf)  }
0x4e: {  	s13 =	sand.u32 $0x1FFFFF80, s14;
	(v2sf) =	vpush v5, $0xF  }
0x4f: {  	v61 =	vsel vm13, $0x0, v4;
	s14 =	simm.s32 $0x6200;
	s13 =	sadd.s32 s0, s13;
	v62, _, _ =	vpop (xrf0)  }
0x50: {  	v5 =	vxor.u32 $0x80000000, v61;
	[tilespmem:s14], [sflag:$0x7] =	stream.strided.gather [hbm4b:s13+s15], $0x1000, s16, s15, $0x38;
	(v2sf) =	vpush v62, $0xF;
	[tilespmem:$0x14200] =	vst v63  }
0x51: {  	(xrf0) =	vmax.scan.msk.u32 $0xffff, v5;
	v5 =	vsel vm14, $0x0, v4;
	s14 =	spop (v2sf)  }
0x52: {  	v5 =	vxor.u32 $0x80000000, v5;
	v63, _, _ =	vpop (xrf0);
	s13 =	sand.u32 $0x1FFFFF80, s14  }
0x53: {  	(xrf0) =	vmax.scan.msk.u32 $0xffff, v5;
	(v2sf) =	vpush v63, $0xF;
	s14 =	simm.s32 $0x7200;
	s13 =	sadd.s32 s0, s13  }
0x54: {  	[tilespmem:s14], [sflag:$0x8] =	stream.strided.gather [hbm4b:s13+s15], $0x1000, s16, s15, $0x38;
	[tilespmem:$0x14200] =	vst v63  }
0x55: {  	v4 =	vsel vm15, $0x0, v4;
	s14 =	spop (v2sf)  }
0x56: {  	v4 =	vxor.u32 $0x80000000, v4;
	s13 =	sand.u32 $0x1FFFFF80, s14  }
0x57: {  	v5, _, _ =	vpop (xrf0);
	(xrf0) =	vmax.scan.msk.u32 $0xffff, v4;
	s14 =	simm.s32 $0x8200;
	s13 =	sadd.s32 s0, s13  }
0x58: {  	(v2sf) =	vpush v5, $0xF;
	[tilespmem:s14], [sflag:$0x9] =	stream.strided.gather [hbm4b:s13+s15], $0x1000, s16, s15, $0x38;
	[tilespmem:$0x14200] =	vst v63  }
0x59: {  	v4, _, _ =	vpop (xrf0);
	s14 =	spop (v2sf)  }
0x5a: {  	(v2sf) =	vpush v4, $0xF;
	s13 =	sand.u32 $0x1FFFFF80, s14  }
0x5b: {  	s13 =	sadd.s32 s0, s13  }
0x5c: {  	[tilespmem:s19], [sflag:$0xA] =	stream.strided.gather [hbm4b:s13+s15], $0x1000, s16, s15, $0x38;
	[tilespmem:$0x14200] =	vst v63  }
0x5d: {  	s14 =	spop (v2sf)  }
0x5e: {  	v4, _, _ =	vpop (xrf0);
	s13 =	sand.u32 $0x1FFFFF80, s14  }
0x5f: {  	(v2sf) =	vpush v4, $0xF;
	s14 =	spop (v2sf);
	s13 =	sadd.s32 s0, s13  }
0x60: {  	[tilespmem:s20], [sflag:$0xB] =	stream.strided.gather [hbm4b:s13+s15], $0x1000, s16, s15, $0x38;
	[tilespmem:$0x14200] =	vst v63  }
0x61: {  	s13 =	sand.u32 $0x1FFFFF80, s14  }
0x62: {  	s14 =	spop (v2sf);
	s13 =	sadd.s32 s0, s13  }
0x63: {  	[tilespmem:s21], [sflag:$0xC] =	stream.strided.gather [hbm4b:s13+s15], $0x1000, s16, s15, $0x38;
	[tilespmem:$0x14200] =	vst v63  }
0x64: {  	s13 =	sand.u32 $0x1FFFFF80, s14  }
0x65: {  	s13 =	sadd.s32 s0, s13  }
0x66: {  	[tilespmem:s22], [sflag:$0xD] =	stream.strided.gather [hbm4b:s13+s15], $0x1000, s16, s15, $0x38;
	[tilespmem:$0x14200] =	vst v63  }
0x67: {  	s14 =	spop (v2sf)  }
0x68: {  	s13 =	sand.u32 $0x1FFFFF80, s14  }
0x69: {  	s13 =	sadd.s32 s0, s13;
	s14 =	spop (v2sf)  }
0x6a: {  	[tilespmem:s23], [sflag:$0xE] =	stream.strided.gather [hbm4b:s13+s15], $0x1000, s16, s15, $0x38;
	[tilespmem:$0x14200] =	vst v63  }
0x6b: {  	s14 =	sand.u32 $0x1FFFFF80, s14  }
0x6c: {  	s13 =	sadd.s32 s0, s14  }
0x6d: {  	[tilespmem:s24], [sflag:$0xF] =	stream.strided.gather [hbm4b:s13+s15], $0x1000, s16, s15, $0x38;
	[tilespmem:$0x14200] =	vst v63  }
0x6e: {  	s14 =	spop (v2sf)  }
0x6f: {  	s13 =	sand.u32 $0x1FFFFF80, s14  }
0x70: {  	s13 =	sadd.s32 s0, s13  }
0x71: {  	[tilespmem:s25], [sflag:$0x10] =	stream.strided.gather [hbm4b:s13+s15], $0x1000, s16, s15, $0x38;
	[tilespmem:$0x14200] =	vst v63  }
0x72: {  	s14 =	simm.s32 $0xF;
	s13 =	simm.s32 $0x10  }
.LBB2_2:
0x73: {  	v4 =	vld [tilespmem:s13+$0xFFFFFFF0];
	_ =	sdelay $0x4  }
0x74: {  	v4 =	vand.u32 $0x7F, v4  }
0x75: {  	v5 =	vnsel vm0, $0x0, v4  }
0x76: {  	_ =	swait.ge [sflag:s26], $0x1000;
	v5 =	vor.u32 $0x80000000, v5  }
0x77: {  	(xrf0) =	vmax.scan.msk.u32 $0xffff, v5;
	_ =	sdelay $0x5  }
0x78: {  	v5, _, _ =	vpop (xrf0)  }
0x79: {  	(v2sf) =	vpush v5, $0xF;
	_ =	sdelay $0xe  }
0x7a: {  	s15 =	spop (v2sf)  }
0x7b: {  	s15 =	sxor.u32 $0x80000000, s15  }
0x7c: {  	s16 =	sadd.s32 $0xFFFFFFF1, s14;
	v5 =	vadd.s32 s15, v0  }
0x7d: {  	v6 =	vmov s16  }
0x7e: {  	v7 =	vshll.u32 v6, $0x3  }
0x7f: {  	[sflag:s26] =	ssyncset.done $0x0;
	v6 =	vand.u32 $0x70, v6;
	v7 =	vand.u32 $0xC00, v7  }
0x80: {  	[sflag:s26] =	ssyncadd.s32 $0xFFFFF000;
	v6 =	vor.u32 v6, v7  }
0x81: {  	v7 =	vor.u32 v1, v6;
	v5 =	vld.idx.msk [tilespmem:v5+s17+$0x0], $0xffff  }
0x82: {  	v8 =	vadd.s32 s15, v3;
	_ =	sdelay $0x3  }
0x83: {  	[tilespmem:v7+s28+$0x0] =	vst.idx.msk $0xffff, v5  }
0x84: {  	v6 =	vor.u32 v2, v6;
	v5 =	vld.idx.msk [tilespmem:v8+s17+$0x0], $0xffff;
	_ =	sdelay $0x4  }
0x85: {  	[tilespmem:v6+s28+$0x0] =	vst.idx.msk $0xffff, v5;
	v5 =	vsel vm1, $0x0, v4  }
0x86: {  	_ =	swait.ge [sflag:s29], $0x1000;
	v5 =	vor.u32 $0x80000000, v5  }
0x87: {  	(xrf0) =	vmax.scan.msk.u32 $0xffff, v5;
	_ =	sdelay $0x5  }
0x88: {  	v5, _, _ =	vpop (xrf0)  }
0x89: {  	(v2sf) =	vpush v5, $0xF;
	_ =	sdelay $0xe  }
0x8a: {  	s16 =	spop (v2sf)  }
0x8b: {  	s15 =	sxor.u32 $0x80000000, s16  }
0x8c: {  	s17 =	sadd.s32 $0xFFFFFFF2, s14;
	v5 =	vadd.s32 s15, v0  }
0x8d: {  	v20 =	vmov s17  }
0x8e: {  	v21 =	vshll.u32 v20, $0x3  }
0x8f: {  	v7 =	vand.u32 $0xC00, v21;
	v6 =	vand.u32 $0x71, v20;
	[sflag:s29] =	ssyncset.done $0x0  }
0x90: {  	v6 =	vor.u32 v6, v7;
	[sflag:s29] =	ssyncadd.s32 $0xFFFFF000  }
0x91: {  	v7 =	vor.u32 v1, v6;
	v5 =	vld.idx.msk [tilespmem:v5+s18+$0x0], $0xffff  }
0x92: {  	v22 =	vadd.s32 s15, v3;
	_ =	sdelay $0x3  }
0x93: {  	[tilespmem:v7+s28+$0x0] =	vst.idx.msk $0xffff, v5  }
0x94: {  	v6 =	vor.u32 v2, v6;
	v5 =	vld.idx.msk [tilespmem:v22+s18+$0x0], $0xffff;
	_ =	sdelay $0x4  }
0x95: {  	[tilespmem:v6+s28+$0x0] =	vst.idx.msk $0xffff, v5;
	v5 =	vsel vm2, $0x0, v4  }
0x96: {  	_ =	swait.ge [sflag:s30], $0x1000;
	v5 =	vor.u32 $0x80000000, v5  }
0x97: {  	(xrf0) =	vmax.scan.msk.u32 $0xffff, v5;
	_ =	sdelay $0x5  }
0x98: {  	v5, _, _ =	vpop (xrf0)  }
0x99: {  	(v2sf) =	vpush v5, $0xF;
	_ =	sdelay $0xe  }
0x9a: {  	s16 =	spop (v2sf)  }
0x9b: {  	s15 =	sxor.u32 $0x80000000, s16  }
0x9c: {  	s17 =	sadd.s32 $0xFFFFFFF3, s14;
	v5 =	vadd.s32 s15, v0  }
0x9d: {  	v23 =	vmov s17  }
0x9e: {  	v24 =	vshll.u32 v23, $0x3  }
0x9f: {  	v7 =	vand.u32 $0xC00, v24;
	v6 =	vand.u32 $0x72, v23;
	[sflag:s30] =	ssyncset.done $0x0  }
0xa0: {  	s18 =	simm.s32 $0x2200;
	v6 =	vor.u32 v6, v7;
	[sflag:s30] =	ssyncadd.s32 $0xFFFFF000  }
0xa1: {  	v7 =	vor.u32 v1, v6;
	v5 =	vld.idx.msk [tilespmem:v5+s18+$0x0], $0xffff  }
0xa2: {  	v25 =	vadd.s32 s15, v3;
	_ =	sdelay $0x3  }
0xa3: {  	[tilespmem:v7+s28+$0x0] =	vst.idx.msk $0xffff, v5  }
0xa4: {  	v6 =	vor.u32 v2, v6;
	v5 =	vld.idx.msk [tilespmem:v25+s18+$0x0], $0xffff;
	_ =	sdelay $0x4  }
0xa5: {  	[tilespmem:v6+s28+$0x0] =	vst.idx.msk $0xffff, v5;
	v5 =	vsel vm3, $0x0, v4  }
0xa6: {  	_ =	swait.ge [sflag:s31], $0x1000;
	v5 =	vor.u32 $0x80000000, v5  }
0xa7: {  	(xrf0) =	vmax.scan.msk.u32 $0xffff, v5;
	_ =	sdelay $0x5  }
0xa8: {  	v5, _, _ =	vpop (xrf0)  }
0xa9: {  	(v2sf) =	vpush v5, $0xF;
	_ =	sdelay $0xe  }
0xaa: {  	s16 =	spop (v2sf)  }
0xab: {  	s15 =	sxor.u32 $0x80000000, s16  }
0xac: {  	s17 =	sadd.s32 $0xFFFFFFF4, s14;
	v5 =	vadd.s32 s15, v0  }
0xad: {  	v26 =	vmov s17  }
0xae: {  	v27 =	vshll.u32 v26, $0x3  }
0xaf: {  	v7 =	vand.u32 $0xC00, v27;
	v6 =	vand.u32 $0x73, v26;
	[sflag:s31] =	ssyncset.done $0x0  }
0xb0: {  	s18 =	simm.s32 $0x3200;
	v6 =	vor.u32 v6, v7;
	[sflag:s31] =	ssyncadd.s32 $0xFFFFF000  }
0xb1: {  	v7 =	vor.u32 v1, v6;
	v5 =	vld.idx.msk [tilespmem:v5+s18+$0x0], $0xffff  }
0xb2: {  	v28 =	vadd.s32 s15, v3;
	_ =	sdelay $0x3  }
0xb3: {  	[tilespmem:v7+s28+$0x0] =	vst.idx.msk $0xffff, v5  }
0xb4: {  	v6 =	vor.u32 v2, v6;
	v5 =	vld.idx.msk [tilespmem:v28+s18+$0x0], $0xffff;
	_ =	sdelay $0x4  }
0xb5: {  	[tilespmem:v6+s28+$0x0] =	vst.idx.msk $0xffff, v5;
	v5 =	vsel vm4, $0x0, v4  }
0xb6: {  	_ =	swait.ge [sflag:s1], $0x1000;
	v5 =	vor.u32 $0x80000000, v5  }
0xb7: {  	(xrf0) =	vmax.scan.msk.u32 $0xffff, v5;
	_ =	sdelay $0x5  }
0xb8: {  	v5, _, _ =	vpop (xrf0)  }
0xb9: {  	(v2sf) =	vpush v5, $0xF;
	_ =	sdelay $0xe  }
0xba: {  	s16 =	spop (v2sf)  }
0xbb: {  	s15 =	sxor.u32 $0x80000000, s16  }
0xbc: {  	s17 =	sadd.s32 $0xFFFFFFF5, s14;
	v5 =	vadd.s32 s15, v0  }
0xbd: {  	v29 =	vmov s17  }
0xbe: {  	v30 =	vshll.u32 v29, $0x3  }
0xbf: {  	v7 =	vand.u32 $0xC00, v30;
	v6 =	vand.u32 $0x74, v29;
	[sflag:s1] =	ssyncset.done $0x0  }
0xc0: {  	s18 =	simm.s32 $0x4200;
	v6 =	vor.u32 v6, v7;
	[sflag:s1] =	ssyncadd.s32 $0xFFFFF000  }
0xc1: {  	v7 =	vor.u32 v1, v6;
	v5 =	vld.idx.msk [tilespmem:v5+s18+$0x0], $0xffff  }
0xc2: {  	v31 =	vadd.s32 s15, v3;
	_ =	sdelay $0x3  }
0xc3: {  	[tilespmem:v7+s28+$0x0] =	vst.idx.msk $0xffff, v5  }
0xc4: {  	v6 =	vor.u32 v2, v6;
	v5 =	vld.idx.msk [tilespmem:v31+s18+$0x0], $0xffff;
	_ =	sdelay $0x4  }
0xc5: {  	[tilespmem:v6+s28+$0x0] =	vst.idx.msk $0xffff, v5;
	v5 =	vsel vm5, $0x0, v4  }
0xc6: {  	_ =	swait.ge [sflag:s2], $0x1000;
	v5 =	vor.u32 $0x80000000, v5  }
0xc7: {  	(xrf0) =	vmax.scan.msk.u32 $0xffff, v5;
	_ =	sdelay $0x5  }
0xc8: {  	v5, _, _ =	vpop (xrf0)  }
0xc9: {  	(v2sf) =	vpush v5, $0xF;
	_ =	sdelay $0xe  }
0xca: {  	s16 =	spop (v2sf)  }
0xcb: {  	s15 =	sxor.u32 $0x80000000, s16  }
0xcc: {  	s17 =	sadd.s32 $0xFFFFFFF6, s14;
	v5 =	vadd.s32 s15, v0  }
0xcd: {  	v32 =	vmov s17  }
0xce: {  	v33 =	vshll.u32 v32, $0x3  }
0xcf: {  	v7 =	vand.u32 $0xC00, v33;
	v6 =	vand.u32 $0x75, v32;
	[sflag:s2] =	ssyncset.done $0x0  }
0xd0: {  	s18 =	simm.s32 $0x5200;
	v6 =	vor.u32 v6, v7;
	[sflag:s2] =	ssyncadd.s32 $0xFFFFF000  }
0xd1: {  	v7 =	vor.u32 v1, v6;
	v5 =	vld.idx.msk [tilespmem:v5+s18+$0x0], $0xffff  }
0xd2: {  	v34 =	vadd.s32 s15, v3;
	_ =	sdelay $0x3  }
0xd3: {  	[tilespmem:v7+s28+$0x0] =	vst.idx.msk $0xffff, v5  }
0xd4: {  	v6 =	vor.u32 v2, v6;
	v5 =	vld.idx.msk [tilespmem:v34+s18+$0x0], $0xffff;
	_ =	sdelay $0x4  }
0xd5: {  	[tilespmem:v6+s28+$0x0] =	vst.idx.msk $0xffff, v5;
	v5 =	vsel vm6, $0x0, v4  }
0xd6: {  	_ =	swait.ge [sflag:s3], $0x1000;
	v5 =	vor.u32 $0x80000000, v5  }
0xd7: {  	(xrf0) =	vmax.scan.msk.u32 $0xffff, v5;
	_ =	sdelay $0x5  }
0xd8: {  	v5, _, _ =	vpop (xrf0)  }
0xd9: {  	(v2sf) =	vpush v5, $0xF;
	_ =	sdelay $0xe  }
0xda: {  	s16 =	spop (v2sf)  }
0xdb: {  	s15 =	sxor.u32 $0x80000000, s16  }
0xdc: {  	s17 =	sadd.s32 $0xFFFFFFF7, s14;
	v5 =	vadd.s32 s15, v0  }
0xdd: {  	v35 =	vmov s17  }
0xde: {  	v36 =	vshll.u32 v35, $0x3  }
0xdf: {  	v7 =	vand.u32 $0xC00, v36;
	v6 =	vand.u32 $0x76, v35;
	[sflag:s3] =	ssyncset.done $0x0  }
0xe0: {  	s18 =	simm.s32 $0x6200;
	v6 =	vor.u32 v6, v7;
	[sflag:s3] =	ssyncadd.s32 $0xFFFFF000  }
0xe1: {  	v7 =	vor.u32 v1, v6;
	v5 =	vld.idx.msk [tilespmem:v5+s18+$0x0], $0xffff  }
0xe2: {  	v37 =	vadd.s32 s15, v3;
	_ =	sdelay $0x3  }
0xe3: {  	[tilespmem:v7+s28+$0x0] =	vst.idx.msk $0xffff, v5  }
0xe4: {  	v6 =	vor.u32 v2, v6;
	v5 =	vld.idx.msk [tilespmem:v37+s18+$0x0], $0xffff;
	_ =	sdelay $0x4  }
0xe5: {  	[tilespmem:v6+s28+$0x0] =	vst.idx.msk $0xffff, v5;
	v5 =	vsel vm7, $0x0, v4  }
0xe6: {  	_ =	swait.ge [sflag:s4], $0x1000;
	v5 =	vor.u32 $0x80000000, v5  }
0xe7: {  	(xrf0) =	vmax.scan.msk.u32 $0xffff, v5;
	_ =	sdelay $0x5  }
0xe8: {  	v5, _, _ =	vpop (xrf0)  }
0xe9: {  	(v2sf) =	vpush v5, $0xF;
	_ =	sdelay $0xe  }
0xea: {  	s16 =	spop (v2sf)  }
0xeb: {  	s15 =	sxor.u32 $0x80000000, s16  }
0xec: {  	s17 =	sadd.s32 $0xFFFFFFF8, s14;
	v5 =	vadd.s32 s15, v0  }
0xed: {  	v38 =	vmov s17  }
0xee: {  	v39 =	vshll.u32 v38, $0x3  }
0xef: {  	v7 =	vand.u32 $0xC00, v39;
	v6 =	vand.u32 $0x77, v38;
	[sflag:s4] =	ssyncset.done $0x0  }
0xf0: {  	s18 =	simm.s32 $0x7200;
	v6 =	vor.u32 v6, v7;
	[sflag:s4] =	ssyncadd.s32 $0xFFFFF000  }
0xf1: {  	v7 =	vor.u32 v1, v6;
	v5 =	vld.idx.msk [tilespmem:v5+s18+$0x0], $0xffff  }
0xf2: {  	v40 =	vadd.s32 s15, v3;
	_ =	sdelay $0x3  }
0xf3: {  	[tilespmem:v7+s28+$0x0] =	vst.idx.msk $0xffff, v5  }
0xf4: {  	v6 =	vor.u32 v2, v6;
	v5 =	vld.idx.msk [tilespmem:v40+s18+$0x0], $0xffff;
	_ =	sdelay $0x4  }
0xf5: {  	[tilespmem:v6+s28+$0x0] =	vst.idx.msk $0xffff, v5;
	v5 =	vsel vm8, $0x0, v4  }
0xf6: {  	_ =	swait.ge [sflag:s5], $0x1000;
	v5 =	vor.u32 $0x80000000, v5  }
0xf7: {  	(xrf0) =	vmax.scan.msk.u32 $0xffff, v5;
	_ =	sdelay $0x5  }
0xf8: {  	v5, _, _ =	vpop (xrf0)  }
0xf9: {  	(v2sf) =	vpush v5, $0xF;
	_ =	sdelay $0xe  }
0xfa: {  	s16 =	spop (v2sf)  }
0xfb: {  	s15 =	sxor.u32 $0x80000000, s16  }
0xfc: {  	s17 =	sadd.s32 $0xFFFFFFF9, s14;
	v5 =	vadd.s32 s15, v0  }
0xfd: {  	v41 =	vmov s17  }
0xfe: {  	v42 =	vshll.u32 v41, $0x3  }
0xff: {  	v7 =	vand.u32 $0xC00, v42;
	v6 =	vand.u32 $0x78, v41;
	[sflag:s5] =	ssyncset.done $0x0  }
0x100: {  	s18 =	simm.s32 $0x8200;
	v6 =	vor.u32 v6, v7;
	[sflag:s5] =	ssyncadd.s32 $0xFFFFF000  }
0x101: {  	v7 =	vor.u32 v1, v6;
	v5 =	vld.idx.msk [tilespmem:v5+s18+$0x0], $0xffff  }
0x102: {  	v43 =	vadd.s32 s15, v3;
	_ =	sdelay $0x3  }
0x103: {  	[tilespmem:v7+s28+$0x0] =	vst.idx.msk $0xffff, v5  }
0x104: {  	v6 =	vor.u32 v2, v6;
	v5 =	vld.idx.msk [tilespmem:v43+s18+$0x0], $0xffff;
	_ =	sdelay $0x4  }
0x105: {  	[tilespmem:v6+s28+$0x0] =	vst.idx.msk $0xffff, v5;
	v5 =	vsel vm9, $0x0, v4  }
0x106: {  	_ =	swait.ge [sflag:s7], $0x1000;
	v5 =	vor.u32 $0x80000000, v5  }
0x107: {  	(xrf0) =	vmax.scan.msk.u32 $0xffff, v5;
	_ =	sdelay $0x5  }
0x108: {  	v5, _, _ =	vpop (xrf0)  }
0x109: {  	(v2sf) =	vpush v5, $0xF;
	_ =	sdelay $0xe  }
0x10a: {  	s17 =	spop (v2sf)  }
0x10b: {  	s15 =	sxor.u32 $0x80000000, s17  }
0x10c: {  	s18 =	sadd.s32 $0xFFFFFFFA, s14;
	v5 =	vadd.s32 s15, v0  }
0x10d: {  	v44 =	vmov s18  }
0x10e: {  	v45 =	vshll.u32 v44, $0x3  }
0x10f: {  	v7 =	vand.u32 $0xC00, v45;
	v6 =	vand.u32 $0x79, v44;
	[sflag:s7] =	ssyncset.done $0x0  }
0x110: {  	v6 =	vor.u32 v6, v7;
	[sflag:s7] =	ssyncadd.s32 $0xFFFFF000  }
0x111: {  	v7 =	vor.u32 v1, v6;
	v5 =	vld.idx.msk [tilespmem:v5+s19+$0x0], $0xffff  }
0x112: {  	v46 =	vadd.s32 s15, v3;
	_ =	sdelay $0x3  }
0x113: {  	[tilespmem:v7+s28+$0x0] =	vst.idx.msk $0xffff, v5  }
0x114: {  	v6 =	vor.u32 v2, v6;
	v5 =	vld.idx.msk [tilespmem:v46+s19+$0x0], $0xffff;
	_ =	sdelay $0x4  }
0x115: {  	[tilespmem:v6+s28+$0x0] =	vst.idx.msk $0xffff, v5;
	v5 =	vsel vm10, $0x0, v4  }
0x116: {  	_ =	swait.ge [sflag:s6], $0x1000;
	v5 =	vor.u32 $0x80000000, v5  }
0x117: {  	(xrf0) =	vmax.scan.msk.u32 $0xffff, v5;
	_ =	sdelay $0x5  }
0x118: {  	v5, _, _ =	vpop (xrf0)  }
0x119: {  	(v2sf) =	vpush v5, $0xF;
	_ =	sdelay $0xe  }
0x11a: {  	s17 =	spop (v2sf)  }
0x11b: {  	s15 =	sxor.u32 $0x80000000, s17  }
0x11c: {  	s18 =	sadd.s32 $0xFFFFFFFB, s14;
	v5 =	vadd.s32 s15, v0  }
0x11d: {  	v47 =	vmov s18  }
0x11e: {  	v48 =	vshll.u32 v47, $0x3  }
0x11f: {  	v7 =	vand.u32 $0xC00, v48;
	v6 =	vand.u32 $0x7A, v47;
	[sflag:s6] =	ssyncset.done $0x0  }
0x120: {  	v6 =	vor.u32 v6, v7;
	[sflag:s6] =	ssyncadd.s32 $0xFFFFF000  }
0x121: {  	v7 =	vor.u32 v1, v6;
	v5 =	vld.idx.msk [tilespmem:v5+s20+$0x0], $0xffff  }
0x122: {  	v49 =	vadd.s32 s15, v3;
	_ =	sdelay $0x3  }
0x123: {  	[tilespmem:v7+s28+$0x0] =	vst.idx.msk $0xffff, v5  }
0x124: {  	v6 =	vor.u32 v2, v6;
	v5 =	vld.idx.msk [tilespmem:v49+s20+$0x0], $0xffff;
	_ =	sdelay $0x4  }
0x125: {  	[tilespmem:v6+s28+$0x0] =	vst.idx.msk $0xffff, v5;
	v5 =	vsel vm11, $0x0, v4  }
0x126: {  	_ =	swait.ge [sflag:s8], $0x1000;
	v5 =	vor.u32 $0x80000000, v5  }
0x127: {  	(xrf0) =	vmax.scan.msk.u32 $0xffff, v5;
	_ =	sdelay $0x5  }
0x128: {  	v5, _, _ =	vpop (xrf0)  }
0x129: {  	(v2sf) =	vpush v5, $0xF;
	_ =	sdelay $0xe  }
0x12a: {  	s17 =	spop (v2sf)  }
0x12b: {  	s15 =	sxor.u32 $0x80000000, s17  }
0x12c: {  	s18 =	sadd.s32 $0xFFFFFFFC, s14;
	v5 =	vadd.s32 s15, v0  }
0x12d: {  	v50 =	vmov s18  }
0x12e: {  	v51 =	vshll.u32 v50, $0x3  }
0x12f: {  	v7 =	vand.u32 $0xC00, v51;
	v6 =	vand.u32 $0x7B, v50;
	[sflag:s8] =	ssyncset.done $0x0  }
0x130: {  	v6 =	vor.u32 v6, v7;
	[sflag:s8] =	ssyncadd.s32 $0xFFFFF000  }
0x131: {  	v7 =	vor.u32 v1, v6;
	v5 =	vld.idx.msk [tilespmem:v5+s21+$0x0], $0xffff  }
0x132: {  	v52 =	vadd.s32 s15, v3;
	_ =	sdelay $0x3  }
0x133: {  	[tilespmem:v7+s28+$0x0] =	vst.idx.msk $0xffff, v5  }
0x134: {  	v6 =	vor.u32 v2, v6;
	v5 =	vld.idx.msk [tilespmem:v52+s21+$0x0], $0xffff;
	_ =	sdelay $0x4  }
0x135: {  	[tilespmem:v6+s28+$0x0] =	vst.idx.msk $0xffff, v5;
	v5 =	vsel vm12, $0x0, v4  }
0x136: {  	_ =	swait.ge [sflag:s9], $0x1000;
	v5 =	vor.u32 $0x80000000, v5  }
0x137: {  	(xrf0) =	vmax.scan.msk.u32 $0xffff, v5;
	_ =	sdelay $0x5  }
0x138: {  	v5, _, _ =	vpop (xrf0)  }
0x139: {  	(v2sf) =	vpush v5, $0xF;
	_ =	sdelay $0xe  }
0x13a: {  	s17 =	spop (v2sf)  }
0x13b: {  	s15 =	sxor.u32 $0x80000000, s17  }
0x13c: {  	s18 =	sadd.s32 $0xFFFFFFFD, s14;
	v5 =	vadd.s32 s15, v0  }
0x13d: {  	v53 =	vmov s18  }
0x13e: {  	v54 =	vshll.u32 v53, $0x3  }
0x13f: {  	v7 =	vand.u32 $0xC00, v54;
	v6 =	vand.u32 $0x7C, v53;
	[sflag:s9] =	ssyncset.done $0x0  }
0x140: {  	v6 =	vor.u32 v6, v7;
	[sflag:s9] =	ssyncadd.s32 $0xFFFFF000  }
0x141: {  	v7 =	vor.u32 v1, v6;
	v5 =	vld.idx.msk [tilespmem:v5+s22+$0x0], $0xffff  }
0x142: {  	v55 =	vadd.s32 s15, v3;
	_ =	sdelay $0x3  }
0x143: {  	[tilespmem:v7+s28+$0x0] =	vst.idx.msk $0xffff, v5  }
0x144: {  	v6 =	vor.u32 v2, v6;
	v5 =	vld.idx.msk [tilespmem:v55+s22+$0x0], $0xffff;
	_ =	sdelay $0x4  }
0x145: {  	[tilespmem:v6+s28+$0x0] =	vst.idx.msk $0xffff, v5;
	v5 =	vsel vm13, $0x0, v4  }
0x146: {  	_ =	swait.ge [sflag:s10], $0x1000;
	v5 =	vor.u32 $0x80000000, v5  }
0x147: {  	(xrf0) =	vmax.scan.msk.u32 $0xffff, v5;
	_ =	sdelay $0x5  }
0x148: {  	v5, _, _ =	vpop (xrf0)  }
0x149: {  	(v2sf) =	vpush v5, $0xF;
	_ =	sdelay $0xe  }
0x14a: {  	s17 =	spop (v2sf)  }
0x14b: {  	s15 =	sxor.u32 $0x80000000, s17  }
0x14c: {  	s18 =	sadd.s32 $0xFFFFFFFE, s14;
	v5 =	vadd.s32 s15, v0  }
0x14d: {  	v56 =	vmov s18  }
0x14e: {  	v57 =	vshll.u32 v56, $0x3  }
0x14f: {  	v7 =	vand.u32 $0xC00, v57;
	v6 =	vand.u32 $0x7D, v56;
	[sflag:s10] =	ssyncset.done $0x0  }
0x150: {  	v6 =	vor.u32 v6, v7;
	[sflag:s10] =	ssyncadd.s32 $0xFFFFF000  }
0x151: {  	v7 =	vor.u32 v1, v6;
	v5 =	vld.idx.msk [tilespmem:v5+s23+$0x0], $0xffff  }
0x152: {  	v58 =	vadd.s32 s15, v3;
	_ =	sdelay $0x3  }
0x153: {  	[tilespmem:v7+s28+$0x0] =	vst.idx.msk $0xffff, v5  }
0x154: {  	v6 =	vor.u32 v2, v6;
	v5 =	vld.idx.msk [tilespmem:v58+s23+$0x0], $0xffff;
	_ =	sdelay $0x4  }
0x155: {  	[tilespmem:v6+s28+$0x0] =	vst.idx.msk $0xffff, v5;
	v5 =	vsel vm14, $0x0, v4  }
0x156: {  	_ =	swait.ge [sflag:s11], $0x1000;
	v5 =	vor.u32 $0x80000000, v5  }
0x157: {  	(xrf0) =	vmax.scan.msk.u32 $0xffff, v5;
	_ =	sdelay $0x5  }
0x158: {  	v5, _, _ =	vpop (xrf0)  }
0x159: {  	(v2sf) =	vpush v5, $0xF;
	_ =	sdelay $0xe  }
0x15a: {  	s16 =	spop (v2sf)  }
0x15b: {  	s15 =	sxor.u32 $0x80000000, s16  }
0x15c: {  	s17 =	sadd.s32 $0xFFFFFFFF, s14;
	v5 =	vadd.s32 s15, v0  }
0x15d: {  	v59 =	vmov s17  }
0x15e: {  	v60 =	vshll.u32 v59, $0x3  }
0x15f: {  	v7 =	vand.u32 $0xC00, v60;
	v6 =	vand.u32 $0x7E, v59;
	[sflag:s11] =	ssyncset.done $0x0  }
0x160: {  	v6 =	vor.u32 v6, v7;
	[sflag:s11] =	ssyncadd.s32 $0xFFFFF000  }
0x161: {  	v7 =	vor.u32 v1, v6;
	v5 =	vld.idx.msk [tilespmem:v5+s24+$0x0], $0xffff  }
0x162: {  	v61 =	vadd.s32 s15, v3;
	_ =	sdelay $0x3  }
0x163: {  	[tilespmem:v7+s28+$0x0] =	vst.idx.msk $0xffff, v5  }
0x164: {  	v6 =	vor.u32 v2, v6;
	v5 =	vld.idx.msk [tilespmem:v61+s24+$0x0], $0xffff;
	_ =	sdelay $0x4  }
0x165: {  	v4 =	vsel vm15, $0x0, v4;
	[tilespmem:v6+s28+$0x0] =	vst.idx.msk $0xffff, v5  }
0x166: {  	v4 =	vor.u32 $0x80000000, v4;
	_ =	swait.ge [sflag:s12], $0x1000  }
0x167: {  	(xrf0) =	vmax.scan.msk.u32 $0xffff, v4;
	_ =	sdelay $0x5  }
0x168: {  	v4, _, _ =	vpop (xrf0)  }
0x169: {  	(v2sf) =	vpush v4, $0xF;
	_ =	sdelay $0xe  }
0x16a: {  	s18 =	spop (v2sf)  }
0x16b: {  	s15 =	sxor.u32 $0x80000000, s18  }
0x16c: {  	v4 =	vadd.s32 s15, v0  }
0x16d: {  	v5 =	vmov s14  }
0x16e: {  	v62 =	vshll.u32 v5, $0x3  }
0x16f: {  	v5 =	vand.u32 $0x7F, v5;
	[sflag:s12] =	ssyncset.done $0x0;
	v6 =	vand.u32 $0xC00, v62  }
0x170: {  	[sflag:s12] =	ssyncadd.s32 $0xFFFFF000;
	v5 =	vor.u32 v5, v6  }
0x171: {  	v6 =	vor.u32 v1, v5;
	v4 =	vld.idx.msk [tilespmem:v4+s25+$0x0], $0xffff  }
0x172: {  	v63 =	vadd.s32 s15, v3;
	_ =	sdelay $0x3  }
0x173: {  	[tilespmem:v6+s28+$0x0] =	vst.idx.msk $0xffff, v4  }
0x174: {  	v5 =	vor.u32 v2, v5;
	v4 =	vld.idx.msk [tilespmem:v63+s25+$0x0], $0xffff;
	_ =	sdelay $0x4  }
0x175: {  	p0 =	seq.s32 s14, $0x1FF;
	[tilespmem:v5+s28+$0x0] =	vst.idx.msk $0xffff, v4  }
0x176: {  	vm15 =	vmmov vm0;
	vm0 =	vmmov vm14;
	v4 =	vld @!p0 [tilespmem:s13+$0x0]  }
0x177: {  	vm14 =	vmmov vm13;
	vm13 =	vmmov vm12;
	vm12 =	vmmov vm11  }
0x178: {  	vm11 =	vmmov vm10;
	vm10 =	vmmov vm9;
	vm9 =	vmmov vm8  }
0x179: {  	vm8 =	vmmov vm7;
	vm7 =	vmmov vm6;
	vm6 =	vmmov vm5  }
0x17a: {  	vm5 =	vmmov vm4;
	vm4 =	vmmov vm3;
	vm3 =	vmmov vm2  }
0x17b: {  	vm2 =	vmmov vm1;
	vm1 =	vmmov @!p0 $0x1;
	v4 =	vand.u32 @!p0 $0xFFFFFF80, v4  }
0x17c: {  	v5 =	vnsel @!p0 vm1, $0x0, v4  }
0x17d: {  	v5 =	vxor.u32 @!p0 $0x80000000, v5  }
0x17e: {  	(xrf0) =	vmax.scan.msk.u32 @!p0 $0xffff, v5  }
0x17f: {  	vm1 =	vcmask @!p0 $0x308  }
0x180: {  	v5 =	vsel @!p0 vm1, $0x0, v4  }
0x181: {  	v5 =	vxor.u32 @!p0 $0x80000000, v5;
	_ =	sdelay $0x1  }
0x182: {  	(xrf0) =	vmax.scan.msk.u32 @!p0 $0xffff, v5  }
0x183: {  	vm1 =	vcmask @!p0 $0x70C;
	v5, _, _ =	vpop @!p0 (xrf0)  }
0x184: {  	(v2sf) =	vpush @!p0 v5, $0xF;
	v5 =	vsel @!p0 vm1, $0x0, v4  }
0x185: {  	v5 =	vxor.u32 @!p0 $0x80000000, v5  }
0x186: {  	(xrf0) =	vmax.scan.msk.u32 @!p0 $0xffff, v5  }
0x187: {  	vm1 =	vcmask @!p0 $0xB10  }
0x188: {  	v6 =	vsel @!p0 vm1, $0x0, v4;
	v5, _, _ =	vpop @!p0 (xrf0)  }
0x189: {  	(v2sf) =	vpush @!p0 v5, $0xF;
	v5 =	vxor.u32 @!p0 $0x80000000, v6  }
0x18a: {  	(xrf0) =	vmax.scan.msk.u32 @!p0 $0xffff, v5  }
0x18b: {  	vm1 =	vcmask @!p0 $0xF14  }
0x18c: {  	v6 =	vsel @!p0 vm1, $0x0, v4;
	v5, _, _ =	vpop @!p0 (xrf0)  }
0x18d: {  	(v2sf) =	vpush @!p0 v5, $0xF;
	v5 =	vxor.u32 @!p0 $0x80000000, v6  }
0x18e: {  	(xrf0) =	vmax.scan.msk.u32 @!p0 $0xffff, v5  }
0x18f: {  	vm1 =	vcmask @!p0 $0x1318  }
0x190: {  	v6 =	vsel @!p0 vm1, $0x0, v4;
	v5, _, _ =	vpop @!p0 (xrf0)  }
0x191: {  	(v2sf) =	vpush @!p0 v5, $0xF;
	v5 =	vxor.u32 @!p0 $0x80000000, v6  }
0x192: {  	(xrf0) =	vmax.scan.msk.u32 @!p0 $0xffff, v5  }
0x193: {  	vm1 =	vcmask @!p0 $0x171C  }
0x194: {  	v6 =	vsel @!p0 vm1, $0x0, v4;
	v5, _, _ =	vpop @!p0 (xrf0)  }
0x195: {  	s15 =	spop @!p0 (v2sf);
	(v2sf) =	vpush @!p0 v5, $0xF;
	v5 =	vxor.u32 @!p0 $0x80000000, v6  }
0x196: {  	s16 =	simm.s32 @!p0 $0x7A1400;
	s15 =	sand.u32 @!p0 $0x1FFFFF80, s15;
	(xrf0) =	vmax.scan.msk.u32 @!p0 $0xffff, v5  }
0x197: {  	s18 =	simm.s32 @!p0 $0x200;
	vm1 =	vcmask @!p0 $0x1B20;
	s17 =	sadd.s32 @!p0 s0, s15;
	s15 =	simm.s32 @!p0 $0x400  }
0x198: {  	v6 =	vsel @!p0 vm1, $0x0, v4;
	[tilespmem:s18], [sflag:$0x1] =	stream.strided.gather @!p0 [hbm4b:s17+s15], $0x1000, s16, s15, $0x38;
	v5, _, _ =	vpop @!p0 (xrf0);
	[tilespmem:$0x14200] =	vst v63  }
0x199: {  	s17 =	spop @!p0 (v2sf);
	(v2sf) =	vpush @!p0 v5, $0xF;
	v5 =	vxor.u32 @!p0 $0x80000000, v6  }
0x19a: {  	s17 =	sand.u32 @!p0 $0x1FFFFF80, s17;
	(xrf0) =	vmax.scan.msk.u32 @!p0 $0xffff, v5  }
0x19b: {  	vm1 =	vcmask @!p0 $0x1F24;
	s18 =	simm.s32 @!p0 $0x1200;
	s17 =	sadd.s32 @!p0 s0, s17  }
0x19c: {  	v6 =	vsel @!p0 vm1, $0x0, v4;
	[tilespmem:s18], [sflag:$0x2] =	stream.strided.gather @!p0 [hbm4b:s17+s15], $0x1000, s16, s15, $0x38;
	v5, _, _ =	vpop @!p0 (xrf0);
	[tilespmem:$0x14200] =	vst v63  }
0x19d: {  	s17 =	spop @!p0 (v2sf);
	(v2sf) =	vpush @!p0 v5, $0xF;
	v5 =	vxor.u32 @!p0 $0x80000000, v6  }
0x19e: {  	s17 =	sand.u32 @!p0 $0x1FFFFF80, s17;
	(xrf0) =	vmax.scan.msk.u32 @!p0 $0xffff, v5  }
0x19f: {  	vm1 =	vcmask @!p0 $0x2328;
	s18 =	simm.s32 @!p0 $0x2200;
	s17 =	sadd.s32 @!p0 s0, s17  }
0x1a0: {  	v6 =	vsel @!p0 vm1, $0x0, v4;
	[tilespmem:s18], [sflag:$0x3] =	stream.strided.gather @!p0 [hbm4b:s17+s15], $0x1000, s16, s15, $0x38;
	v5, _, _ =	vpop @!p0 (xrf0);
	[tilespmem:$0x14200] =	vst v63  }
0x1a1: {  	s17 =	spop @!p0 (v2sf);
	(v2sf) =	vpush @!p0 v5, $0xF;
	v5 =	vxor.u32 @!p0 $0x80000000, v6  }
0x1a2: {  	s17 =	sand.u32 @!p0 $0x1FFFFF80, s17;
	(xrf0) =	vmax.scan.msk.u32 @!p0 $0xffff, v5  }
0x1a3: {  	vm1 =	vcmask @!p0 $0x272C;
	s18 =	simm.s32 @!p0 $0x3200;
	s17 =	sadd.s32 @!p0 s0, s17  }
0x1a4: {  	v6 =	vsel @!p0 vm1, $0x0, v4;
	[tilespmem:s18], [sflag:$0x4] =	stream.strided.gather @!p0 [hbm4b:s17+s15], $0x1000, s16, s15, $0x38;
	v5, _, _ =	vpop @!p0 (xrf0);
	[tilespmem:$0x14200] =	vst v63  }
0x1a5: {  	s17 =	spop @!p0 (v2sf);
	(v2sf) =	vpush @!p0 v5, $0xF;
	v5 =	vxor.u32 @!p0 $0x80000000, v6  }
0x1a6: {  	s17 =	sand.u32 @!p0 $0x1FFFFF80, s17;
	(xrf0) =	vmax.scan.msk.u32 @!p0 $0xffff, v5  }
0x1a7: {  	vm1 =	vcmask @!p0 $0x2B30;
	s18 =	simm.s32 @!p0 $0x4200;
	s17 =	sadd.s32 @!p0 s0, s17  }
0x1a8: {  	v6 =	vsel @!p0 vm1, $0x0, v4;
	[tilespmem:s18], [sflag:$0x5] =	stream.strided.gather @!p0 [hbm4b:s17+s15], $0x1000, s16, s15, $0x38;
	v5, _, _ =	vpop @!p0 (xrf0);
	[tilespmem:$0x14200] =	vst v63  }
0x1a9: {  	s17 =	spop @!p0 (v2sf);
	(v2sf) =	vpush @!p0 v5, $0xF;
	v5 =	vxor.u32 @!p0 $0x80000000, v6  }
0x1aa: {  	s17 =	sand.u32 @!p0 $0x1FFFFF80, s17;
	(xrf0) =	vmax.scan.msk.u32 @!p0 $0xffff, v5  }
0x1ab: {  	vm1 =	vcmask @!p0 $0x2F34;
	s18 =	simm.s32 @!p0 $0x5200;
	s17 =	sadd.s32 @!p0 s0, s17  }
0x1ac: {  	v6 =	vsel @!p0 vm1, $0x0, v4;
	[tilespmem:s18], [sflag:$0x6] =	stream.strided.gather @!p0 [hbm4b:s17+s15], $0x1000, s16, s15, $0x38;
	v5, _, _ =	vpop @!p0 (xrf0);
	[tilespmem:$0x14200] =	vst v63  }
0x1ad: {  	s17 =	spop @!p0 (v2sf);
	(v2sf) =	vpush @!p0 v5, $0xF;
	v5 =	vxor.u32 @!p0 $0x80000000, v6  }
0x1ae: {  	s17 =	sand.u32 @!p0 $0x1FFFFF80, s17;
	(xrf0) =	vmax.scan.msk.u32 @!p0 $0xffff, v5  }
0x1af: {  	vm1 =	vcmask @!p0 $0x3338;
	s18 =	simm.s32 @!p0 $0x6200;
	s17 =	sadd.s32 @!p0 s0, s17  }
0x1b0: {  	v6 =	vsel @!p0 vm1, $0x0, v4;
	[tilespmem:s18], [sflag:$0x7] =	stream.strided.gather @!p0 [hbm4b:s17+s15], $0x1000, s16, s15, $0x38;
	v5, _, _ =	vpop @!p0 (xrf0);
	[tilespmem:$0x14200] =	vst v63  }
0x1b1: {  	s17 =	spop @!p0 (v2sf);
	(v2sf) =	vpush @!p0 v5, $0xF;
	v5 =	vxor.u32 @!p0 $0x80000000, v6  }
0x1b2: {  	s17 =	sand.u32 @!p0 $0x1FFFFF80, s17  }
0x1b3: {  	vm1 =	vcmask @!p0 $0x373C;
	s18 =	simm.s32 @!p0 $0x7200;
	s17 =	sadd.s32 @!p0 s0, s17;
	(xrf0) =	vmax.scan.msk.u32 @!p0 $0xffff, v5  }
0x1b4: {  	v6 =	vsel @!p0 vm1, $0x0, v4;
	[tilespmem:s18], [sflag:$0x8] =	stream.strided.gather @!p0 [hbm4b:s17+s15], $0x1000, s16, s15, $0x38;
	v5, _, _ =	vpop @!p0 (xrf0);
	[tilespmem:$0x14200] =	vst v63  }
0x1b5: {  	vm1 =	vmmov @!p0 $0x7fff;
	s17 =	spop @!p0 (v2sf);
	(v2sf) =	vpush @!p0 v5, $0xF;
	v5 =	vxor.u32 @!p0 $0x80000000, v6  }
0x1b6: {  	v4 =	vsel @!p0 vm1, $0x0, v4;
	vm1 =	vmmov vm2;
	(xrf0) =	vmax.scan.msk.u32 @!p0 $0xffff, v5;
	v5 =	vld [tilespmem:$0x1FFF0]  }
0x1b7: {  	vm2 =	vmmov vm3;
	vm3 =	vmmov vm4;
	vm4 =	vmmov vm5  }
0x1b8: {  	vm5 =	vmmov vm6;
	vm6 =	vmmov vm7;
	vm7 =	vmmov vm8;
	s17 =	sand.u32 @!p0 $0x1FFFFF80, s17  }
0x1b9: {  	vm8 =	vmmov vm9;
	vm9 =	vmmov vm10;
	vm10 =	vmmov vm11;
	s18 =	simm.s32 @!p0 $0x8200;
	s17 =	sadd.s32 @!p0 s0, s17  }
0x1ba: {  	vm11 =	vmmov vm12;
	vm12 =	vmmov vm13;
	vm13 =	vmmov vm14;
	[tilespmem:s18], [sflag:$0x9] =	stream.strided.gather @!p0 [hbm4b:s17+s15], $0x1000, s16, s15, $0x38;
	[tilespmem:$0x14200] =	vst v63  }
0x1bb: {  	vm14 =	vmmov vm0;
	vm0 =	vmmov vm15;
	s17 =	spop @!p0 (v2sf);
	vm15 =	vnez.u8 v5;
	v5, _, _ =	vpop @!p0 (xrf0)  }
0x1bc: {  	v4 =	vxor.u32 @!p0 $0x80000000, v4;
	s17 =	sand.u32 @!p0 $0x1FFFFF80, s17;
	(v2sf) =	vpush @!p0 v5, $0xF  }
0x1bd: {  	s18 =	simm.s32 @!p0 $0x9200;
	s17 =	sadd.s32 @!p0 s0, s17;
	(xrf0) =	vmax.scan.msk.u32 @!p0 $0xffff, v4  }
0x1be: {  	[tilespmem:s18], [sflag:$0xA] =	stream.strided.gather @!p0 [hbm4b:s17+s15], $0x1000, s16, s15, $0x38;
	[tilespmem:$0x14200] =	vst v63  }
0x1bf: {  	v4, _, _ =	vpop @!p0 (xrf0);
	s17 =	spop @!p0 (v2sf)  }
0x1c0: {  	s17 =	sand.u32 @!p0 $0x1FFFFF80, s17;
	(v2sf) =	vpush @!p0 v4, $0xF  }
0x1c1: {  	s18 =	simm.s32 @!p0 $0xA200;
	s17 =	sadd.s32 @!p0 s0, s17  }
0x1c2: {  	[tilespmem:s18], [sflag:$0xB] =	stream.strided.gather @!p0 [hbm4b:s17+s15], $0x1000, s16, s15, $0x38;
	[tilespmem:$0x14200] =	vst v63  }
0x1c3: {  	s17 =	spop @!p0 (v2sf);
	v4, _, _ =	vpop @!p0 (xrf0)  }
0x1c4: {  	s17 =	sand.u32 @!p0 $0x1FFFFF80, s17;
	(v2sf) =	vpush @!p0 v4, $0xF  }
0x1c5: {  	s18 =	simm.s32 @!p0 $0xB200;
	s17 =	sadd.s32 @!p0 s0, s17  }
0x1c6: {  	[tilespmem:s18], [sflag:$0xC] =	stream.strided.gather @!p0 [hbm4b:s17+s15], $0x1000, s16, s15, $0x38;
	[tilespmem:$0x14200] =	vst v63  }
0x1c7: {  	s17 =	spop @!p0 (v2sf)  }
0x1c8: {  	s17 =	sand.u32 @!p0 $0x1FFFFF80, s17  }
0x1c9: {  	s18 =	simm.s32 @!p0 $0xC200;
	s17 =	sadd.s32 @!p0 s0, s17  }
0x1ca: {  	[tilespmem:s18], [sflag:$0xD] =	stream.strided.gather @!p0 [hbm4b:s17+s15], $0x1000, s16, s15, $0x38;
	[tilespmem:$0x14200] =	vst v63  }
0x1cb: {  	s17 =	spop @!p0 (v2sf)  }
0x1cc: {  	s17 =	sand.u32 @!p0 $0x1FFFFF80, s17  }
0x1cd: {  	s18 =	simm.s32 @!p0 $0xD200;
	s17 =	sadd.s32 @!p0 s0, s17  }
0x1ce: {  	[tilespmem:s18], [sflag:$0xE] =	stream.strided.gather @!p0 [hbm4b:s17+s15], $0x1000, s16, s15, $0x38;
	[tilespmem:$0x14200] =	vst v63  }
0x1cf: {  	s14 =	sadd.s32 @!p0 $0x10, s14;
	s17 =	spop @!p0 (v2sf)  }
0x1d0: {  	p1 =	sne.s32 @!p0 s14, $0x20F;
	s17 =	sand.u32 @!p0 $0x1FFFFF80, s17  }
0x1d1: {  	p1 =	por p0, !p1;
	s18 =	simm.s32 @!p0 $0xE200;
	s17 =	sadd.s32 @!p0 s0, s17  }
0x1d2: {  	[tilespmem:s18], [sflag:$0xF] =	stream.strided.gather @!p0 [hbm4b:s17+s15], $0x1000, s16, s15, $0x38;
	[tilespmem:$0x14200] =	vst v63  }
.Ltmp0:
0x1d3: {  	s17 =	spop @!p0 (v2sf);
	(pc) =	sbr.rel @!p1 .LBB2_2-.Ltmp0, $4  }
0x1d4: {  	s17 =	sand.u32 @!p0 $0x1FFFFF80, s17  }
0x1d5: {  	s18 =	simm.s32 @!p0 $0xF200;
	s17 =	sadd.s32 @!p0 s0, s17  }
0x1d6: {  	[tilespmem:s18], [sflag:$0x10] =	stream.strided.gather @!p0 [hbm4b:s17+s15], $0x1000, s16, s15, $0x38;
	[tilespmem:$0x14200] =	vst v63  }
0x1d7: {  	s13 =	sadd.s32 @!p0 $0x10, s13;
	s18 =	simm.s32 $0x1200;
	s17 =	simm.s32 $0x200  }
0x1d8: {  	s13 =	rddreg [dreg:$0x5];
	s14 =	simm.s32 $0x1000;
	s15 =	simm.s32 $0x20000  }
0x1d9: {  	[hbm4b:s13+s14] =	stream.strided.scatter [tilespmem:s28], [sflag:$0x11], $0x4000, s15, s14, $0x38;
	[tilespmem:$0x14200] =	vst v63  }
0x1da: {  	s15 =	simm.s32 $0x11  }
0x1db: {  	_ =	swait.ge [sflag:s15], $0x4000  }
0x1dc: {  	s13 =	rddreg [dreg:$0x7]  }
0x1dd: {  	s16 =	rddreg [dreg:$0x6];
	s14 =	sadd.s32 $0x1, s13  }
0x1de: {  	p0 =	sne.s32 s14, s16  }
.Ltmp1:
0x1df: {  	_ = 	snop;
	(pc) =	sbr.rel @p0 .LBB2_1-.Ltmp1, $3  }
0x1e0: {  	_ =	sdelay $0x1  }
0x1e1: {  	[sflag:s15] =	ssyncset.done $0x0  }
0x1e2: {  	[sflag:s15] =	ssyncadd.s32 $0xFFFFC000  }
0x1e3: {  	_ =	sfence.sel $0x180000  }
0x1e4: {  	[bflag:$0x0] =	sbarrier.arrive $0xFFFF  }
0x1e5: {  	_ =	strace $0x90000047  }
0x1e6: {  	s0 =	stileid.u32;
	[bflag:$0x2] =	sbarrier.arrive $0xFFFF  }
0x1e7: {  	p0 =	sne.s32 s0, $0x0;
	s0 =	rddreg [dreg:$0x3]  }
0x1e8: {  	s0 =	sadd.s32 @!p0 $0x100000, s0  }
0x1e9: {  	[sflag:s0] =	ssyncadd.tile.s32 @!p0 $0x1;
	_ =	shalt  }
.Lfunc_end2:
_tile_overlayer_lowered:
.L_overlay_start_2:
0x1ea: {  	(tag) =	ssettag $0x2  }
0x1eb: {  	s0 =	rddreg [dreg:$0x0];
	s2 =	stileid.u32  }
0x1ec: {  	s1 =	rddreg [dreg:$0x1];
	p0 =	sne.s32 s2, $0x0  }
0x1ed: {  	s3 =	rddreg [dreg:$0x2];
	[bflag:$0x3] =	sbarrier.arrive $0xFFFF;
	s2 =	simm.s32 @!p0 $0x1C11  }
0x1ee: {  	[timem:s3], [sflag:s2] =	dma.local @!p0 [hbm:s0], s1  }
0x1ef: {  	s0 =	simm.s32 @!p0 $0x11  }
0x1f0: {  	_ =	swait.ge @!p0 [sflag:s0], s1  }
0x1f1: {  	s1 =	ssub.s32 @!p0 $0x0, s1;
	[sflag:s0] =	ssyncset.done @!p0 $0x0  }
0x1f2: {  	[sflag:s0] =	ssyncadd.s32 @!p0 s1  }
0x1f3: {  	[bflag:$0x3] =	sbarrier.arrive $0xFFFF  }
0x1f4: {  	_ =	shalt  }

</sc_bundles>
